<compile_context>
chip_gen: v7x
topology: tpu7x:2x2x1
jax: 0.10.2.dev20260603
libtpu: 0.0.44.dev20260713+nightly
codegen_flags: <defaults>
</compile_context>

<pallas_src>
import functools

import jax
import jax.numpy as jnp
from jax.experimental import pallas as pl

B = 4096
D = 512
K = 32
LAMBDA_REG = 0.1
TEMPERATURE = 0.1

_INTERPRET = False


def _normalize_kernel(f_ref, x_ref):
    f = f_ref[...]
    n = jnp.sqrt(jnp.sum(f * f, axis=1, keepdims=True))
    x_ref[...] = f / jnp.maximum(n, 1e-12)


def _simtopk_kernel(xblk_ref, xall_ref, idx_ref, *, blk):
    s = jax.lax.dot_general(
        xblk_ref[...], xall_ref[...], (((1,), (1,)), ((), ())))
    colid = jax.lax.broadcasted_iota(jnp.int32, (blk, B), 1)
    cols = []
    for k in range(K + 1):
        m = jnp.max(s, axis=1, keepdims=True)
        idxv = jnp.min(jnp.where(s == m, colid, B), axis=1, keepdims=True)
        cols.append(idxv)
        s = jnp.where(colid == idxv, -jnp.inf, s)
    idx_ref[...] = jnp.concatenate(cols[1:], axis=1)


def _adj_kernel(idx_ref, a_ref, *, blk):
    colid = jax.lax.broadcasted_iota(jnp.int32, (blk, B), 1)
    idx_blk = idx_ref[...]
    s = jnp.zeros((blk, B), jnp.float32)
    for k in range(K):
        s = s + (idx_blk[:, k:k + 1] == colid).astype(jnp.float32)
    a_ref[...] = s


def _diffuse_kernel(mrow_ref, mcol_ref, dc_ref, dcb_ref, h_ref, out_ref):
    g = dc_ref[...] * h_ref[...]
    acc = jnp.dot(mrow_ref[...], g) + jax.lax.dot_general(
        mcol_ref[...], g, (((0,), (0,)), ((), ())))
    out_ref[...] = dcb_ref[...] * acc


def _ymat_kernel(x_ref, g_ref, y_ref):
    g = g_ref[...]
    ng = jnp.sqrt(jnp.sum(g * g, axis=1, keepdims=True))
    y_ref[...] = x_ref[...] + LAMBDA_REG * g / jnp.maximum(ng, 1e-8)


def _attn_kernel(x_ref, y_ref, f_ref, out_ref):
    s = jax.lax.dot_general(
        x_ref[...], y_ref[...], (((1,), (1,)), ((), ()))) * (1.0 / TEMPERATURE)
    m = jnp.max(s, axis=1, keepdims=True)
    p = jnp.exp(s - m)
    denom = jnp.sum(p, axis=1, keepdims=True)
    out_ref[...] = jnp.dot(p, f_ref[...]) / denom


def _full(shape):
    return pl.BlockSpec(shape, lambda i: (0,) * len(shape))


def kernel(features):
    f = features
    x = pl.pallas_call(
        _normalize_kernel,
        grid=(16,),
        in_specs=[pl.BlockSpec((B // 16, D), lambda i: (i, 0))],
        out_specs=pl.BlockSpec((B // 16, D), lambda i: (i, 0)),
        out_shape=jax.ShapeDtypeStruct((B, D), jnp.float32),
        interpret=_INTERPRET,
    )(f)

    tkblk = 256
    idx = pl.pallas_call(
        functools.partial(_simtopk_kernel, blk=tkblk),
        grid=(B // tkblk,),
        in_specs=[pl.BlockSpec((tkblk, D), lambda i: (i, 0)), _full((B, D))],
        out_specs=pl.BlockSpec((tkblk, K), lambda i: (i, 0)),
        out_shape=jax.ShapeDtypeStruct((B, K), jnp.int32),
        interpret=_INTERPRET,
    )(x, x)

    cnt = jnp.zeros((B,), jnp.float32).at[idx.reshape(-1)].add(1.0)
    deg = cnt + float(K)
    dinv_col = jnp.minimum(deg ** -0.5, 1e6).reshape(B, 1)

    blk = 128
    a_mat = pl.pallas_call(
        functools.partial(_adj_kernel, blk=blk),
        grid=(B // blk,),
        in_specs=[pl.BlockSpec((blk, K), lambda i: (i, 0))],
        out_specs=pl.BlockSpec((blk, B), lambda i: (i, 0)),
        out_shape=jax.ShapeDtypeStruct((B, B), jnp.float32),
        interpret=_INTERPRET,
    )(idx)

    def spmm(h):
        return pl.pallas_call(
            _diffuse_kernel,
            grid=(16,),
            in_specs=[pl.BlockSpec((B // 16, B), lambda i: (i, 0)),
                      pl.BlockSpec((B, B // 16), lambda i: (0, i)),
                      _full((B, 1)),
                      pl.BlockSpec((B // 16, 1), lambda i: (i, 0)),
                      _full((B, D))],
            out_specs=pl.BlockSpec((B // 16, D), lambda i: (i, 0)),
            out_shape=jax.ShapeDtypeStruct((B, D), jnp.float32),
            interpret=_INTERPRET,
        )(a_mat, a_mat, dinv_col, dinv_col, h)

    geodesic = spmm(spmm(f))

    y = pl.pallas_call(
        _ymat_kernel,
        grid=(16,),
        in_specs=[pl.BlockSpec((B // 16, D), lambda i: (i, 0)),
                  pl.BlockSpec((B // 16, D), lambda i: (i, 0))],
        out_specs=pl.BlockSpec((B // 16, D), lambda i: (i, 0)),
        out_shape=jax.ShapeDtypeStruct((B, D), jnp.float32),
        interpret=_INTERPRET,
    )(x, geodesic)

    enhanced = pl.pallas_call(
        _attn_kernel,
        grid=(16,),
        in_specs=[pl.BlockSpec((B // 16, D), lambda i: (i, 0)),
                  _full((B, D)), _full((B, D))],
        out_specs=pl.BlockSpec((B // 16, D), lambda i: (i, 0)),
        out_shape=jax.ShapeDtypeStruct((B, D), jnp.float32),
        interpret=_INTERPRET,
    )(x, y, f)
    return enhanced

# --- scband reference (transcript-rebuilt; emitter-appended) ---
"""Pipeline reference for scband-almslayer-84911503441980 (READ-ONLY COPY).

The authoritative reference and input builder live on the scoring server;
editing this copy changes nothing except your own understanding.
"""

import jax, jax.numpy as jnp
import numpy as np

K = 32
LAMBDA_REG = 0.1
TEMPERATURE = 0.1


def setup_inputs(seed: int = 0) -> dict:
    key = jax.random.key(seed)
    features = jax.random.normal(key, (4096, 512), dtype=jnp.float32)
    return {"features": features}


def _forward(features):
    B, D = features.shape
    # F.normalize(features, p=2, dim=1) with default eps=1e-12
    norm_f_keep = jnp.linalg.norm(features, axis=1, keepdims=True)
    x = features / jnp.maximum(norm_f_keep, 1e-12)
    sim = x @ x.T
    # eval mode: no eps noise added (self.training is False)
    topk_val, topk_idx = jax.lax.top_k(sim, K + 1)
    topk_idx = topk_idx[:, 1:]
    src = jnp.repeat(jnp.arange(B, dtype=jnp.int32), K)
    dst = topk_idx.reshape(-1).astype(jnp.int32)
    rows = jnp.concatenate([src, dst])
    cols = jnp.concatenate([dst, src])
    # degree via scatter-add of ones
    deg = jnp.zeros((B,), dtype=jnp.float32).at[rows].add(1.0)
    deg_inv_sqrt = jnp.minimum(deg ** -0.5, 1e6)
    norm_w = deg_inv_sqrt[rows] * deg_inv_sqrt[cols]
    # sparse_coo_tensor(...).coalesce() sums duplicate (row,col) entries; scatter-add matches
    A = jnp.zeros((B, B), dtype=jnp.float32).at[rows, cols].add(norm_w)
    diff1 = A @ features
    geodesic = A @ diff1
    # F.cosine_similarity(features[:,None,:], geodesic[None,:,:], dim=-1), eps=1e-8
    nf = jnp.linalg.norm(features, axis=1)
    ng = jnp.linalg.norm(geodesic, axis=1)
    cos_mat = (features @ geodesic.T) / jnp.maximum(nf[:, None] * ng[None, :], 1e-8)
    raw_weights = sim + LAMBDA_REG * cos_mat
    weights = jax.nn.softmax(raw_weights / TEMPERATURE, axis=-1)
    enhanced = weights @ features
    return enhanced


def reference(features):
    return _forward(features)

if __name__ == "__main__":
    import jax
    _d = setup_inputs()
    print(jax.jit(kernel)(*tuple(_d.values())))

</pallas_src>

<mosaic_0001>
module attributes {stable_mosaic.version = 14 : i64} {
  func.func @_normalize_kernel(%arg0: i32, %arg1: memref<256x512xf32, #tpu.memory_space<vmem>>, %arg2: memref<256x512xf32, #tpu.memory_space<vmem>>) attributes {dimension_semantics = [#tpu.dimension_semantics<arbitrary>], iteration_bounds = array<i64: 16>, scalar_prefetch = 0 : i64, scratch_operands = 0 : i64, tpu.core_type = #tpu.core_type<tc>, window_params = [{transform_indices = @transform_0, window_bounds = array<i64: 256, 512>}, {transform_indices = @transform_1, window_bounds = array<i64: 256, 512>}]} {
    %get3A = arith.constant 0 : index
    %get3A_0 = arith.constant 0 : index
    %get3A_1 = vector.load %arg1[%get3A, %get3A_0] : memref<256x512xf32, #tpu.memory_space<vmem>>, vector<256x512xf32>
    %mul3A = arith.mulf %get3A_1, %get3A_1 : vector<256x512xf32>
    %reduce_sum3A = arith.constant dense<0.000000e+00> : vector<256xf32>
    %reduce_sum3A_2 = vector.multi_reduction <add>, %mul3A, %reduce_sum3A [1] : vector<256x512xf32> to vector<256xf32>
    %broadcast_in_dim3A = vector.shape_cast %reduce_sum3A_2 : vector<256xf32> to vector<256x1xf32>
    %sqrt3A = math.sqrt %broadcast_in_dim3A : vector<256x1xf32>
    %max3A = arith.constant 9.99999996E-13 : f32
    %max3A_3 = vector.broadcast %max3A : f32 to vector<256x1xf32>
    %max3A_4 = arith.maximumf %sqrt3A, %max3A_3 : vector<256x1xf32>
    %div3A = vector.broadcast %max3A_4 : vector<256x1xf32> to vector<256x512xf32>
    %div3A_5 = arith.divf %get3A_1, %div3A : vector<256x512xf32>
    %swap3A = arith.constant 0 : index
    %swap3A_6 = arith.constant 0 : index
    %swap3A_7 = vector.load %arg2[%swap3A, %swap3A_6] : memref<256x512xf32, #tpu.memory_space<vmem>>, vector<256x512xf32>
    tpu.vector_store %arg2[%swap3A, %swap3A_6], %div3A_5 {strides = array<i32>} : memref<256x512xf32, #tpu.memory_space<vmem>>, vector<256x512xf32>,
    return
  }
  func.func @transform_0(%arg0: i32) -> (i32, i32) {
    %c0_i32 = arith.constant 0 : i32
    %c0_i32_0 = arith.constant 0 : i32
    return %arg0, %c0_i32 : i32, i32
  }
  func.func @transform_1(%arg0: i32) -> (i32, i32) {
    %c0_i32 = arith.constant 0 : i32
    %c0_i32_0 = arith.constant 0 : i32
    return %arg0, %c0_i32 : i32, i32
  }
}

module attributes {stable_mosaic.version = 14 : i64} {
  func.func @_simtopk_kernel(%arg0: i32, %arg1: memref<256x512xf32, #tpu.memory_space<vmem>>, %arg2: memref<4096x512xf32, #tpu.memory_space<vmem>>, %arg3: memref<256x32xi32, #tpu.memory_space<vmem>>) attributes {dimension_semantics = [#tpu.dimension_semantics<arbitrary>], iteration_bounds = array<i64: 16>, scalar_prefetch = 0 : i64, scratch_operands = 0 : i64, tpu.core_type = #tpu.core_type<tc>, window_params = [{transform_indices = @transform_0, window_bounds = array<i64: 256, 512>}, {pipeline_mode = #tpu.pipeline_mode<synchronous>, transform_indices = @transform_1, window_bounds = array<i64: 4096, 512>}, {transform_indices = @transform_2, window_bounds = array<i64: 256, 32>}]} {
    %get3A = arith.constant 0 : index
    %get3A_0 = arith.constant 0 : index
    %get3A_1 = vector.load %arg1[%get3A, %get3A_0] : memref<256x512xf32, #tpu.memory_space<vmem>>, vector<256x512xf32>
    %get3A_2 = arith.constant 0 : index
    %get3A_3 = arith.constant 0 : index
    %get3A_4 = vector.load %arg2[%get3A_2, %get3A_3] : memref<4096x512xf32, #tpu.memory_space<vmem>>, vector<4096x512xf32>
    %dot_general3A = arith.constant dense<0.000000e+00> : vector<256x4096xf32>
    %dot_general3A_5 = tpu.matmul %get3A_1, %get3A_4, %dot_general3A {dimension_numbers = #tpu.dot_dimension_numbers<[1], [1], [0], [0], [0, 0, 1, 0], [], []>, transpose_lhs_hint = false} : vector<256x512xf32>, vector<4096x512xf32>, vector<256x4096xf32> -> vector<256x4096xf32>
    %iota3A = tpu.iota {dimensions = array<i32: 1>} : vector<256x4096xi32>
    %reduce_max3A = arith.constant dense<0xFF800000> : vector<256xf32>
    %reduce_max3A_6 = vector.multi_reduction <maximumf>, %dot_general3A_5, %reduce_max3A [1] : vector<256x4096xf32> to vector<256xf32>
    %broadcast_in_dim3A = vector.shape_cast %reduce_max3A_6 : vector<256xf32> to vector<256x1xf32>
    %eq3A = vector.broadcast %broadcast_in_dim3A : vector<256x1xf32> to vector<256x4096xf32>
    %eq3A_7 = arith.cmpf oeq, %dot_general3A_5, %eq3A : vector<256x4096xf32>
    %jit3A = arith.constant 4096 : i32
    %broadcast_in_dim3A_8 = vector.broadcast %jit3A : i32 to vector<256x4096xi32>
    %select_n3A = arith.select %eq3A_7, %iota3A, %broadcast_in_dim3A_8 : vector<256x4096xi1>, vector<256x4096xi32>
    %reduce_min3A = arith.constant dense<2147483647> : vector<256xi32>
    %reduce_min3A_9 = vector.multi_reduction <minsi>, %select_n3A, %reduce_min3A [1] : vector<256x4096xi32> to vector<256xi32>
    %broadcast_in_dim3A_10 = vector.shape_cast %reduce_min3A_9 : vector<256xi32> to vector<256x1xi32>
    %eq3A_11 = vector.broadcast %broadcast_in_dim3A_10 : vector<256x1xi32> to vector<256x4096xi32>
    %eq3A_12 = arith.cmpi eq, %iota3A, %eq3A_11 : vector<256x4096xi32>
    %jit3A_13 = arith.constant 0xFF800000 : f32
    %broadcast_in_dim3A_14 = vector.broadcast %jit3A_13 : f32 to vector<256x4096xf32>
    %select_n3A_15 = arith.select %eq3A_12, %broadcast_in_dim3A_14, %dot_general3A_5 : vector<256x4096xi1>, vector<256x4096xf32>
    %reduce_max3A_16 = arith.constant dense<0xFF800000> : vector<256xf32>
    %reduce_max3A_17 = vector.multi_reduction <maximumf>, %select_n3A_15, %reduce_max3A_16 [1] : vector<256x4096xf32> to vector<256xf32>
    %broadcast_in_dim3A_18 = vector.shape_cast %reduce_max3A_17 : vector<256xf32> to vector<256x1xf32>
    %eq3A_19 = vector.broadcast %broadcast_in_dim3A_18 : vector<256x1xf32> to vector<256x4096xf32>
    %eq3A_20 = arith.cmpf oeq, %select_n3A_15, %eq3A_19 : vector<256x4096xf32>
    %jit3A_21 = arith.constant 4096 : i32
    %broadcast_in_dim3A_22 = vector.broadcast %jit3A_21 : i32 to vector<256x4096xi32>
    %select_n3A_23 = arith.select %eq3A_20, %iota3A, %broadcast_in_dim3A_22 : vector<256x4096xi1>, vector<256x4096xi32>
    %reduce_min3A_24 = arith.constant dense<2147483647> : vector<256xi32>
    %reduce_min3A_25 = vector.multi_reduction <minsi>, %select_n3A_23, %reduce_min3A_24 [1] : vector<256x4096xi32> to vector<256xi32>
    %broadcast_in_dim3A_26 = vector.shape_cast %reduce_min3A_25 : vector<256xi32> to vector<256x1xi32>
    %eq3A_27 = vector.broadcast %broadcast_in_dim3A_26 : vector<256x1xi32> to vector<256x4096xi32>
    %eq3A_28 = arith.cmpi eq, %iota3A, %eq3A_27 : vector<256x4096xi32>
    %jit3A_29 = arith.constant 0xFF800000 : f32
    %broadcast_in_dim3A_30 = vector.broadcast %jit3A_29 : f32 to vector<256x4096xf32>
    %select_n3A_31 = arith.select %eq3A_28, %broadcast_in_dim3A_30, %select_n3A_15 : vector<256x4096xi1>, vector<256x4096xf32>
    %reduce_max3A_32 = arith.constant dense<0xFF800000> : vector<256xf32>
    %reduce_max3A_33 = vector.multi_reduction <maximumf>, %select_n3A_31, %reduce_max3A_32 [1] : vector<256x4096xf32> to vector<256xf32>
    %broadcast_in_dim3A_34 = vector.shape_cast %reduce_max3A_33 : vector<256xf32> to vector<256x1xf32>
    %eq3A_35 = vector.broadcast %broadcast_in_dim3A_34 : vector<256x1xf32> to vector<256x4096xf32>
    %eq3A_36 = arith.cmpf oeq, %select_n3A_31, %eq3A_35 : vector<256x4096xf32>
    %jit3A_37 = arith.constant 4096 : i32
    %broadcast_in_dim3A_38 = vector.broadcast %jit3A_37 : i32 to vector<256x4096xi32>
    %select_n3A_39 = arith.select %eq3A_36, %iota3A, %broadcast_in_dim3A_38 : vector<256x4096xi1>, vector<256x4096xi32>
    %reduce_min3A_40 = arith.constant dense<2147483647> : vector<256xi32>
    %reduce_min3A_41 = vector.multi_reduction <minsi>, %select_n3A_39, %reduce_min3A_40 [1] : vector<256x4096xi32> to vector<256xi32>
    %broadcast_in_dim3A_42 = vector.shape_cast %reduce_min3A_41 : vector<256xi32> to vector<256x1xi32>
    %eq3A_43 = vector.broadcast %broadcast_in_dim3A_42 : vector<256x1xi32> to vector<256x4096xi32>
    %eq3A_44 = arith.cmpi eq, %iota3A, %eq3A_43 : vector<256x4096xi32>
    %jit3A_45 = arith.constant 0xFF800000 : f32
    %broadcast_in_dim3A_46 = vector.broadcast %jit3A_45 : f32 to vector<256x4096xf32>
    %select_n3A_47 = arith.select %eq3A_44, %broadcast_in_dim3A_46, %select_n3A_31 : vector<256x4096xi1>, vector<256x4096xf32>
    %reduce_max3A_48 = arith.constant dense<0xFF800000> : vector<256xf32>
    %reduce_max3A_49 = vector.multi_reduction <maximumf>, %select_n3A_47, %reduce_max3A_48 [1] : vector<256x4096xf32> to vector<256xf32>
    %broadcast_in_dim3A_50 = vector.shape_cast %reduce_max3A_49 : vector<256xf32> to vector<256x1xf32>
    %eq3A_51 = vector.broadcast %broadcast_in_dim3A_50 : vector<256x1xf32> to vector<256x4096xf32>
    %eq3A_52 = arith.cmpf oeq, %select_n3A_47, %eq3A_51 : vector<256x4096xf32>
    %jit3A_53 = arith.constant 4096 : i32
    %broadcast_in_dim3A_54 = vector.broadcast %jit3A_53 : i32 to vector<256x4096xi32>
    %select_n3A_55 = arith.select %eq3A_52, %iota3A, %broadcast_in_dim3A_54 : vector<256x4096xi1>, vector<256x4096xi32>
    %reduce_min3A_56 = arith.constant dense<2147483647> : vector<256xi32>
    %reduce_min3A_57 = vector.multi_reduction <minsi>, %select_n3A_55, %reduce_min3A_56 [1] : vector<256x4096xi32> to vector<256xi32>
    %broadcast_in_dim3A_58 = vector.shape_cast %reduce_min3A_57 : vector<256xi32> to vector<256x1xi32>
    %eq3A_59 = vector.broadcast %broadcast_in_dim3A_58 : vector<256x1xi32> to vector<256x4096xi32>
    %eq3A_60 = arith.cmpi eq, %iota3A, %eq3A_59 : vector<256x4096xi32>
    %jit3A_61 = arith.constant 0xFF800000 : f32
    %broadcast_in_dim3A_62 = vector.broadcast %jit3A_61 : f32 to vector<256x4096xf32>
    %select_n3A_63 = arith.select %eq3A_60, %broadcast_in_dim3A_62, %select_n3A_47 : vector<256x4096xi1>, vector<256x4096xf32>
    %reduce_max3A_64 = arith.constant dense<0xFF800000> : vector<256xf32>
    %reduce_max3A_65 = vector.multi_reduction <maximumf>, %select_n3A_63, %reduce_max3A_64 [1] : vector<256x4096xf32> to vector<256xf32>
    %broadcast_in_dim3A_66 = vector.shape_cast %reduce_max3A_65 : vector<256xf32> to vector<256x1xf32>
    %eq3A_67 = vector.broadcast %broadcast_in_dim3A_66 : vector<256x1xf32> to vector<256x4096xf32>
    %eq3A_68 = arith.cmpf oeq, %select_n3A_63, %eq3A_67 : vector<256x4096xf32>
    %jit3A_69 = arith.constant 4096 : i32
    %broadcast_in_dim3A_70 = vector.broadcast %jit3A_69 : i32 to vector<256x4096xi32>
    %select_n3A_71 = arith.select %eq3A_68, %iota3A, %broadcast_in_dim3A_70 : vector<256x4096xi1>, vector<256x4096xi32>
    %reduce_min3A_72 = arith.constant dense<2147483647> : vector<256xi32>
    %reduce_min3A_73 = vector.multi_reduction <minsi>, %select_n3A_71, %reduce_min3A_72 [1] : vector<256x4096xi32> to vector<256xi32>
    %broadcast_in_dim3A_74 = vector.shape_cast %reduce_min3A_73 : vector<256xi32> to vector<256x1xi32>
    %eq3A_75 = vector.broadcast %broadcast_in_dim3A_74 : vector<256x1xi32> to vector<256x4096xi32>
    %eq3A_76 = arith.cmpi eq, %iota3A, %eq3A_75 : vector<256x4096xi32>
    %jit3A_77 = arith.constant 0xFF800000 : f32
    %broadcast_in_dim3A_78 = vector.broadcast %jit3A_77 : f32 to vector<256x4096xf32>
    %select_n3A_79 = arith.select %eq3A_76, %broadcast_in_dim3A_78, %select_n3A_63 : vector<256x4096xi1>, vector<256x4096xf32>
    %reduce_max3A_80 = arith.constant dense<0xFF800000> : vector<256xf32>
    %reduce_max3A_81 = vector.multi_reduction <maximumf>, %select_n3A_79, %reduce_max3A_80 [1] : vector<256x4096xf32> to vector<256xf32>
    %broadcast_in_dim3A_82 = vector.shape_cast %reduce_max3A_81 : vector<256xf32> to vector<256x1xf32>
    %eq3A_83 = vector.broadcast %broadcast_in_dim3A_82 : vector<256x1xf32> to vector<256x4096xf32>
    %eq3A_84 = arith.cmpf oeq, %select_n3A_79, %eq3A_83 : vector<256x4096xf32>
    %jit3A_85 = arith.constant 4096 : i32
    %broadcast_in_dim3A_86 = vector.broadcast %jit3A_85 : i32 to vector<256x4096xi32>
    %select_n3A_87 = arith.select %eq3A_84, %iota3A, %broadcast_in_dim3A_86 : vector<256x4096xi1>, vector<256x4096xi32>
    %reduce_min3A_88 = arith.constant dense<2147483647> : vector<256xi32>
    %reduce_min3A_89 = vector.multi_reduction <minsi>, %select_n3A_87, %reduce_min3A_88 [1] : vector<256x4096xi32> to vector<256xi32>
    %broadcast_in_dim3A_90 = vector.shape_cast %reduce_min3A_89 : vector<256xi32> to vector<256x1xi32>
    %eq3A_91 = vector.broadcast %broadcast_in_dim3A_90 : vector<256x1xi32> to vector<256x4096xi32>
    %eq3A_92 = arith.cmpi eq, %iota3A, %eq3A_91 : vector<256x4096xi32>
    %jit3A_93 = arith.constant 0xFF800000 : f32
    %broadcast_in_dim3A_94 = vector.broadcast %jit3A_93 : f32 to vector<256x4096xf32>
    %select_n3A_95 = arith.select %eq3A_92, %broadcast_in_dim3A_94, %select_n3A_79 : vector<256x4096xi1>, vector<256x4096xf32>
    %reduce_max3A_96 = arith.constant dense<0xFF800000> : vector<256xf32>
    %reduce_max3A_97 = vector.multi_reduction <maximumf>, %select_n3A_95, %reduce_max3A_96 [1] : vector<256x4096xf32> to vector<256xf32>
    %broadcast_in_dim3A_98 = vector.shape_cast %reduce_max3A_97 : vector<256xf32> to vector<256x1xf32>
    %eq3A_99 = vector.broadcast %broadcast_in_dim3A_98 : vector<256x1xf32> to vector<256x4096xf32>
    %eq3A_100 = arith.cmpf oeq, %select_n3A_95, %eq3A_99 : vector<256x4096xf32>
    %jit3A_101 = arith.constant 4096 : i32
    %broadcast_in_dim3A_102 = vector.broadcast %jit3A_101 : i32 to vector<256x4096xi32>
    %select_n3A_103 = arith.select %eq3A_100, %iota3A, %broadcast_in_dim3A_102 : vector<256x4096xi1>, vector<256x4096xi32>
    %reduce_min3A_104 = arith.constant dense<2147483647> : vector<256xi32>
    %reduce_min3A_105 = vector.multi_reduction <minsi>, %select_n3A_103, %reduce_min3A_104 [1] : vector<256x4096xi32> to vector<256xi32>
    %broadcast_in_dim3A_106 = vector.shape_cast %reduce_min3A_105 : vector<256xi32> to vector<256x1xi32>
    %eq3A_107 = vector.broadcast %broadcast_in_dim3A_106 : vector<256x1xi32> to vector<256x4096xi32>
    %eq3A_108 = arith.cmpi eq, %iota3A, %eq3A_107 : vector<256x4096xi32>
    %jit3A_109 = arith.constant 0xFF800000 : f32
    %broadcast_in_dim3A_110 = vector.broadcast %jit3A_109 : f32 to vector<256x4096xf32>
    %select_n3A_111 = arith.select %eq3A_108, %broadcast_in_dim3A_110, %select_n3A_95 : vector<256x4096xi1>, vector<256x4096xf32>
    %reduce_max3A_112 = arith.constant dense<0xFF800000> : vector<256xf32>
    %reduce_max3A_113 = vector.multi_reduction <maximumf>, %select_n3A_111, %reduce_max3A_112 [1] : vector<256x4096xf32> to vector<256xf32>
    %broadcast_in_dim3A_114 = vector.shape_cast %reduce_max3A_113 : vector<256xf32> to vector<256x1xf32>
    %eq3A_115 = vector.broadcast %broadcast_in_dim3A_114 : vector<256x1xf32> to vector<256x4096xf32>
    %eq3A_116 = arith.cmpf oeq, %select_n3A_111, %eq3A_115 : vector<256x4096xf32>
    %jit3A_117 = arith.constant 4096 : i32
    %broadcast_in_dim3A_118 = vector.broadcast %jit3A_117 : i32 to vector<256x4096xi32>
    %select_n3A_119 = arith.select %eq3A_116, %iota3A, %broadcast_in_dim3A_118 : vector<256x4096xi1>, vector<256x4096xi32>
    %reduce_min3A_120 = arith.constant dense<2147483647> : vector<256xi32>
    %reduce_min3A_121 = vector.multi_reduction <minsi>, %select_n3A_119, %reduce_min3A_120 [1] : vector<256x4096xi32> to vector<256xi32>
    %broadcast_in_dim3A_122 = vector.shape_cast %reduce_min3A_121 : vector<256xi32> to vector<256x1xi32>
    %eq3A_123 = vector.broadcast %broadcast_in_dim3A_122 : vector<256x1xi32> to vector<256x4096xi32>
    %eq3A_124 = arith.cmpi eq, %iota3A, %eq3A_123 : vector<256x4096xi32>
    %jit3A_125 = arith.constant 0xFF800000 : f32
    %broadcast_in_dim3A_126 = vector.broadcast %jit3A_125 : f32 to vector<256x4096xf32>
    %select_n3A_127 = arith.select %eq3A_124, %broadcast_in_dim3A_126, %select_n3A_111 : vector<256x4096xi1>, vector<256x4096xf32>
    %reduce_max3A_128 = arith.constant dense<0xFF800000> : vector<256xf32>
    %reduce_max3A_129 = vector.multi_reduction <maximumf>, %select_n3A_127, %reduce_max3A_128 [1] : vector<256x4096xf32> to vector<256xf32>
    %broadcast_in_dim3A_130 = vector.shape_cast %reduce_max3A_129 : vector<256xf32> to vector<256x1xf32>
    %eq3A_131 = vector.broadcast %broadcast_in_dim3A_130 : vector<256x1xf32> to vector<256x4096xf32>
    %eq3A_132 = arith.cmpf oeq, %select_n3A_127, %eq3A_131 : vector<256x4096xf32>
    %jit3A_133 = arith.constant 4096 : i32
    %broadcast_in_dim3A_134 = vector.broadcast %jit3A_133 : i32 to vector<256x4096xi32>
    %select_n3A_135 = arith.select %eq3A_132, %iota3A, %broadcast_in_dim3A_134 : vector<256x4096xi1>, vector<256x4096xi32>
    %reduce_min3A_136 = arith.constant dense<2147483647> : vector<256xi32>
    %reduce_min3A_137 = vector.multi_reduction <minsi>, %select_n3A_135, %reduce_min3A_136 [1] : vector<256x4096xi32> to vector<256xi32>
    %broadcast_in_dim3A_138 = vector.shape_cast %reduce_min3A_137 : vector<256xi32> to vector<256x1xi32>
    %eq3A_139 = vector.broadcast %broadcast_in_dim3A_138 : vector<256x1xi32> to vector<256x4096xi32>
    %eq3A_140 = arith.cmpi eq, %iota3A, %eq3A_139 : vector<256x4096xi32>
    %jit3A_141 = arith.constant 0xFF800000 : f32
    %broadcast_in_dim3A_142 = vector.broadcast %jit3A_141 : f32 to vector<256x4096xf32>
    %select_n3A_143 = arith.select %eq3A_140, %broadcast_in_dim3A_142, %select_n3A_127 : vector<256x4096xi1>, vector<256x4096xf32>
    %reduce_max3A_144 = arith.constant dense<0xFF800000> : vector<256xf32>
    %reduce_max3A_145 = vector.multi_reduction <maximumf>, %select_n3A_143, %reduce_max3A_144 [1] : vector<256x4096xf32> to vector<256xf32>
    %broadcast_in_dim3A_146 = vector.shape_cast %reduce_max3A_145 : vector<256xf32> to vector<256x1xf32>
    %eq3A_147 = vector.broadcast %broadcast_in_dim3A_146 : vector<256x1xf32> to vector<256x4096xf32>
    %eq3A_148 = arith.cmpf oeq, %select_n3A_143, %eq3A_147 : vector<256x4096xf32>
    %jit3A_149 = arith.constant 4096 : i32
    %broadcast_in_dim3A_150 = vector.broadcast %jit3A_149 : i32 to vector<256x4096xi32>
    %select_n3A_151 = arith.select %eq3A_148, %iota3A, %broadcast_in_dim3A_150 : vector<256x4096xi1>, vector<256x4096xi32>
    %reduce_min3A_152 = arith.constant dense<2147483647> : vector<256xi32>
    %reduce_min3A_153 = vector.multi_reduction <minsi>, %select_n3A_151, %reduce_min3A_152 [1] : vector<256x4096xi32> to vector<256xi32>
    %broadcast_in_dim3A_154 = vector.shape_cast %reduce_min3A_153 : vector<256xi32> to vector<256x1xi32>
    %eq3A_155 = vector.broadcast %broadcast_in_dim3A_154 : vector<256x1xi32> to vector<256x4096xi32>
    %eq3A_156 = arith.cmpi eq, %iota3A, %eq3A_155 : vector<256x4096xi32>
    %jit3A_157 = arith.constant 0xFF800000 : f32
    %broadcast_in_dim3A_158 = vector.broadcast %jit3A_157 : f32 to vector<256x4096xf32>
    %select_n3A_159 = arith.select %eq3A_156, %broadcast_in_dim3A_158, %select_n3A_143 : vector<256x4096xi1>, vector<256x4096xf32>
    %reduce_max3A_160 = arith.constant dense<0xFF800000> : vector<256xf32>
    %reduce_max3A_161 = vector.multi_reduction <maximumf>, %select_n3A_159, %reduce_max3A_160 [1] : vector<256x4096xf32> to vector<256xf32>
    %broadcast_in_dim3A_162 = vector.shape_cast %reduce_max3A_161 : vector<256xf32> to vector<256x1xf32>
    %eq3A_163 = vector.broadcast %broadcast_in_dim3A_162 : vector<256x1xf32> to vector<256x4096xf32>
    %eq3A_164 = arith.cmpf oeq, %select_n3A_159, %eq3A_163 : vector<256x4096xf32>
    %jit3A_165 = arith.constant 4096 : i32
    %broadcast_in_dim3A_166 = vector.broadcast %jit3A_165 : i32 to vector<256x4096xi32>
    %select_n3A_167 = arith.select %eq3A_164, %iota3A, %broadcast_in_dim3A_166 : vector<256x4096xi1>, vector<256x4096xi32>
    %reduce_min3A_168 = arith.constant dense<2147483647> : vector<256xi32>
    %reduce_min3A_169 = vector.multi_reduction <minsi>, %select_n3A_167, %reduce_min3A_168 [1] : vector<256x4096xi32> to vector<256xi32>
    %broadcast_in_dim3A_170 = vector.shape_cast %reduce_min3A_169 : vector<256xi32> to vector<256x1xi32>
    %eq3A_171 = vector.broadcast %broadcast_in_dim3A_170 : vector<256x1xi32> to vector<256x4096xi32>
    %eq3A_172 = arith.cmpi eq, %iota3A, %eq3A_171 : vector<256x4096xi32>
    %jit3A_173 = arith.constant 0xFF800000 : f32
    %broadcast_in_dim3A_174 = vector.broadcast %jit3A_173 : f32 to vector<256x4096xf32>
    %select_n3A_175 = arith.select %eq3A_172, %broadcast_in_dim3A_174, %select_n3A_159 : vector<256x4096xi1>, vector<256x4096xf32>
    %reduce_max3A_176 = arith.constant dense<0xFF800000> : vector<256xf32>
    %reduce_max3A_177 = vector.multi_reduction <maximumf>, %select_n3A_175, %reduce_max3A_176 [1] : vector<256x4096xf32> to vector<256xf32>
    %broadcast_in_dim3A_178 = vector.shape_cast %reduce_max3A_177 : vector<256xf32> to vector<256x1xf32>
    %eq3A_179 = vector.broadcast %broadcast_in_dim3A_178 : vector<256x1xf32> to vector<256x4096xf32>
    %eq3A_180 = arith.cmpf oeq, %select_n3A_175, %eq3A_179 : vector<256x4096xf32>
    %jit3A_181 = arith.constant 4096 : i32
    %broadcast_in_dim3A_182 = vector.broadcast %jit3A_181 : i32 to vector<256x4096xi32>
    %select_n3A_183 = arith.select %eq3A_180, %iota3A, %broadcast_in_dim3A_182 : vector<256x4096xi1>, vector<256x4096xi32>
    %reduce_min3A_184 = arith.constant dense<2147483647> : vector<256xi32>
    %reduce_min3A_185 = vector.multi_reduction <minsi>, %select_n3A_183, %reduce_min3A_184 [1] : vector<256x4096xi32> to vector<256xi32>
    %broadcast_in_dim3A_186 = vector.shape_cast %reduce_min3A_185 : vector<256xi32> to vector<256x1xi32>
    %eq3A_187 = vector.broadcast %broadcast_in_dim3A_186 : vector<256x1xi32> to vector<256x4096xi32>
    %eq3A_188 = arith.cmpi eq, %iota3A, %eq3A_187 : vector<256x4096xi32>
    %jit3A_189 = arith.constant 0xFF800000 : f32
    %broadcast_in_dim3A_190 = vector.broadcast %jit3A_189 : f32 to vector<256x4096xf32>
    %select_n3A_191 = arith.select %eq3A_188, %broadcast_in_dim3A_190, %select_n3A_175 : vector<256x4096xi1>, vector<256x4096xf32>
    %reduce_max3A_192 = arith.constant dense<0xFF800000> : vector<256xf32>
    %reduce_max3A_193 = vector.multi_reduction <maximumf>, %select_n3A_191, %reduce_max3A_192 [1] : vector<256x4096xf32> to vector<256xf32>
    %broadcast_in_dim3A_194 = vector.shape_cast %reduce_max3A_193 : vector<256xf32> to vector<256x1xf32>
    %eq3A_195 = vector.broadcast %broadcast_in_dim3A_194 : vector<256x1xf32> to vector<256x4096xf32>
    %eq3A_196 = arith.cmpf oeq, %select_n3A_191, %eq3A_195 : vector<256x4096xf32>
    %jit3A_197 = arith.constant 4096 : i32
    %broadcast_in_dim3A_198 = vector.broadcast %jit3A_197 : i32 to vector<256x4096xi32>
    %select_n3A_199 = arith.select %eq3A_196, %iota3A, %broadcast_in_dim3A_198 : vector<256x4096xi1>, vector<256x4096xi32>
    %reduce_min3A_200 = arith.constant dense<2147483647> : vector<256xi32>
    %reduce_min3A_201 = vector.multi_reduction <minsi>, %select_n3A_199, %reduce_min3A_200 [1] : vector<256x4096xi32> to vector<256xi32>
    %broadcast_in_dim3A_202 = vector.shape_cast %reduce_min3A_201 : vector<256xi32> to vector<256x1xi32>
    %eq3A_203 = vector.broadcast %broadcast_in_dim3A_202 : vector<256x1xi32> to vector<256x4096xi32>
    %eq3A_204 = arith.cmpi eq, %iota3A, %eq3A_203 : vector<256x4096xi32>
    %jit3A_205 = arith.constant 0xFF800000 : f32
    %broadcast_in_dim3A_206 = vector.broadcast %jit3A_205 : f32 to vector<256x4096xf32>
    %select_n3A_207 = arith.select %eq3A_204, %broadcast_in_dim3A_206, %select_n3A_191 : vector<256x4096xi1>, vector<256x4096xf32>
    %reduce_max3A_208 = arith.constant dense<0xFF800000> : vector<256xf32>
    %reduce_max3A_209 = vector.multi_reduction <maximumf>, %select_n3A_207, %reduce_max3A_208 [1] : vector<256x4096xf32> to vector<256xf32>
    %broadcast_in_dim3A_210 = vector.shape_cast %reduce_max3A_209 : vector<256xf32> to vector<256x1xf32>
    %eq3A_211 = vector.broadcast %broadcast_in_dim3A_210 : vector<256x1xf32> to vector<256x4096xf32>
    %eq3A_212 = arith.cmpf oeq, %select_n3A_207, %eq3A_211 : vector<256x4096xf32>
    %jit3A_213 = arith.constant 4096 : i32
    %broadcast_in_dim3A_214 = vector.broadcast %jit3A_213 : i32 to vector<256x4096xi32>
    %select_n3A_215 = arith.select %eq3A_212, %iota3A, %broadcast_in_dim3A_214 : vector<256x4096xi1>, vector<256x4096xi32>
    %reduce_min3A_216 = arith.constant dense<2147483647> : vector<256xi32>
    %reduce_min3A_217 = vector.multi_reduction <minsi>, %select_n3A_215, %reduce_min3A_216 [1] : vector<256x4096xi32> to vector<256xi32>
    %broadcast_in_dim3A_218 = vector.shape_cast %reduce_min3A_217 : vector<256xi32> to vector<256x1xi32>
    %eq3A_219 = vector.broadcast %broadcast_in_dim3A_218 : vector<256x1xi32> to vector<256x4096xi32>
    %eq3A_220 = arith.cmpi eq, %iota3A, %eq3A_219 : vector<256x4096xi32>
    %jit3A_221 = arith.constant 0xFF800000 : f32
    %broadcast_in_dim3A_222 = vector.broadcast %jit3A_221 : f32 to vector<256x4096xf32>
    %select_n3A_223 = arith.select %eq3A_220, %broadcast_in_dim3A_222, %select_n3A_207 : vector<256x4096xi1>, vector<256x4096xf32>
    %reduce_max3A_224 = arith.constant dense<0xFF800000> : vector<256xf32>
    %reduce_max3A_225 = vector.multi_reduction <maximumf>, %select_n3A_223, %reduce_max3A_224 [1] : vector<256x4096xf32> to vector<256xf32>
    %broadcast_in_dim3A_226 = vector.shape_cast %reduce_max3A_225 : vector<256xf32> to vector<256x1xf32>
    %eq3A_227 = vector.broadcast %broadcast_in_dim3A_226 : vector<256x1xf32> to vector<256x4096xf32>
    %eq3A_228 = arith.cmpf oeq, %select_n3A_223, %eq3A_227 : vector<256x4096xf32>
    %jit3A_229 = arith.constant 4096 : i32
    %broadcast_in_dim3A_230 = vector.broadcast %jit3A_229 : i32 to vector<256x4096xi32>
    %select_n3A_231 = arith.select %eq3A_228, %iota3A, %broadcast_in_dim3A_230 : vector<256x4096xi1>, vector<256x4096xi32>
    %reduce_min3A_232 = arith.constant dense<2147483647> : vector<256xi32>
    %reduce_min3A_233 = vector.multi_reduction <minsi>, %select_n3A_231, %reduce_min3A_232 [1] : vector<256x4096xi32> to vector<256xi32>
    %broadcast_in_dim3A_234 = vector.shape_cast %reduce_min3A_233 : vector<256xi32> to vector<256x1xi32>
    %eq3A_235 = vector.broadcast %broadcast_in_dim3A_234 : vector<256x1xi32> to vector<256x4096xi32>
    %eq3A_236 = arith.cmpi eq, %iota3A, %eq3A_235 : vector<256x4096xi32>
    %jit3A_237 = arith.constant 0xFF800000 : f32
    %broadcast_in_dim3A_238 = vector.broadcast %jit3A_237 : f32 to vector<256x4096xf32>
    %select_n3A_239 = arith.select %eq3A_236, %broadcast_in_dim3A_238, %select_n3A_223 : vector<256x4096xi1>, vector<256x4096xf32>
    %reduce_max3A_240 = arith.constant dense<0xFF800000> : vector<256xf32>
    %reduce_max3A_241 = vector.multi_reduction <maximumf>, %select_n3A_239, %reduce_max3A_240 [1] : vector<256x4096xf32> to vector<256xf32>
    %broadcast_in_dim3A_242 = vector.shape_cast %reduce_max3A_241 : vector<256xf32> to vector<256x1xf32>
    %eq3A_243 = vector.broadcast %broadcast_in_dim3A_242 : vector<256x1xf32> to vector<256x4096xf32>
    %eq3A_244 = arith.cmpf oeq, %select_n3A_239, %eq3A_243 : vector<256x4096xf32>
    %jit3A_245 = arith.constant 4096 : i32
    %broadcast_in_dim3A_246 = vector.broadcast %jit3A_245 : i32 to vector<256x4096xi32>
    %select_n3A_247 = arith.select %eq3A_244, %iota3A, %broadcast_in_dim3A_246 : vector<256x4096xi1>, vector<256x4096xi32>
    %reduce_min3A_248 = arith.constant dense<2147483647> : vector<256xi32>
    %reduce_min3A_249 = vector.multi_reduction <minsi>, %select_n3A_247, %reduce_min3A_248 [1] : vector<256x4096xi32> to vector<256xi32>
    %broadcast_in_dim3A_250 = vector.shape_cast %reduce_min3A_249 : vector<256xi32> to vector<256x1xi32>
    %eq3A_251 = vector.broadcast %broadcast_in_dim3A_250 : vector<256x1xi32> to vector<256x4096xi32>
    %eq3A_252 = arith.cmpi eq, %iota3A, %eq3A_251 : vector<256x4096xi32>
    %jit3A_253 = arith.constant 0xFF800000 : f32
    %broadcast_in_dim3A_254 = vector.broadcast %jit3A_253 : f32 to vector<256x4096xf32>
    %select_n3A_255 = arith.select %eq3A_252, %broadcast_in_dim3A_254, %select_n3A_239 : vector<256x4096xi1>, vector<256x4096xf32>
    %reduce_max3A_256 = arith.constant dense<0xFF800000> : vector<256xf32>
    %reduce_max3A_257 = vector.multi_reduction <maximumf>, %select_n3A_255, %reduce_max3A_256 [1] : vector<256x4096xf32> to vector<256xf32>
    %broadcast_in_dim3A_258 = vector.shape_cast %reduce_max3A_257 : vector<256xf32> to vector<256x1xf32>
    %eq3A_259 = vector.broadcast %broadcast_in_dim3A_258 : vector<256x1xf32> to vector<256x4096xf32>
    %eq3A_260 = arith.cmpf oeq, %select_n3A_255, %eq3A_259 : vector<256x4096xf32>
    %jit3A_261 = arith.constant 4096 : i32
    %broadcast_in_dim3A_262 = vector.broadcast %jit3A_261 : i32 to vector<256x4096xi32>
    %select_n3A_263 = arith.select %eq3A_260, %iota3A, %broadcast_in_dim3A_262 : vector<256x4096xi1>, vector<256x4096xi32>
    %reduce_min3A_264 = arith.constant dense<2147483647> : vector<256xi32>
    %reduce_min3A_265 = vector.multi_reduction <minsi>, %select_n3A_263, %reduce_min3A_264 [1] : vector<256x4096xi32> to vector<256xi32>
    %broadcast_in_dim3A_266 = vector.shape_cast %reduce_min3A_265 : vector<256xi32> to vector<256x1xi32>
    %eq3A_267 = vector.broadcast %broadcast_in_dim3A_266 : vector<256x1xi32> to vector<256x4096xi32>
    %eq3A_268 = arith.cmpi eq, %iota3A, %eq3A_267 : vector<256x4096xi32>
    %jit3A_269 = arith.constant 0xFF800000 : f32
    %broadcast_in_dim3A_270 = vector.broadcast %jit3A_269 : f32 to vector<256x4096xf32>
    %select_n3A_271 = arith.select %eq3A_268, %broadcast_in_dim3A_270, %select_n3A_255 : vector<256x4096xi1>, vector<256x4096xf32>
    %reduce_max3A_272 = arith.constant dense<0xFF800000> : vector<256xf32>
    %reduce_max3A_273 = vector.multi_reduction <maximumf>, %select_n3A_271, %reduce_max3A_272 [1] : vector<256x4096xf32> to vector<256xf32>
    %broadcast_in_dim3A_274 = vector.shape_cast %reduce_max3A_273 : vector<256xf32> to vector<256x1xf32>
    %eq3A_275 = vector.broadcast %broadcast_in_dim3A_274 : vector<256x1xf32> to vector<256x4096xf32>
    %eq3A_276 = arith.cmpf oeq, %select_n3A_271, %eq3A_275 : vector<256x4096xf32>
    %jit3A_277 = arith.constant 4096 : i32
    %broadcast_in_dim3A_278 = vector.broadcast %jit3A_277 : i32 to vector<256x4096xi32>
    %select_n3A_279 = arith.select %eq3A_276, %iota3A, %broadcast_in_dim3A_278 : vector<256x4096xi1>, vector<256x4096xi32>
    %reduce_min3A_280 = arith.constant dense<2147483647> : vector<256xi32>
    %reduce_min3A_281 = vector.multi_reduction <minsi>, %select_n3A_279, %reduce_min3A_280 [1] : vector<256x4096xi32> to vector<256xi32>
    %broadcast_in_dim3A_282 = vector.shape_cast %reduce_min3A_281 : vector<256xi32> to vector<256x1xi32>
    %eq3A_283 = vector.broadcast %broadcast_in_dim3A_282 : vector<256x1xi32> to vector<256x4096xi32>
    %eq3A_284 = arith.cmpi eq, %iota3A, %eq3A_283 : vector<256x4096xi32>
    %jit3A_285 = arith.constant 0xFF800000 : f32
    %broadcast_in_dim3A_286 = vector.broadcast %jit3A_285 : f32 to vector<256x4096xf32>
    %select_n3A_287 = arith.select %eq3A_284, %broadcast_in_dim3A_286, %select_n3A_271 : vector<256x4096xi1>, vector<256x4096xf32>
    %reduce_max3A_288 = arith.constant dense<0xFF800000> : vector<256xf32>
    %reduce_max3A_289 = vector.multi_reduction <maximumf>, %select_n3A_287, %reduce_max3A_288 [1] : vector<256x4096xf32> to vector<256xf32>
    %broadcast_in_dim3A_290 = vector.shape_cast %reduce_max3A_289 : vector<256xf32> to vector<256x1xf32>
    %eq3A_291 = vector.broadcast %broadcast_in_dim3A_290 : vector<256x1xf32> to vector<256x4096xf32>
    %eq3A_292 = arith.cmpf oeq, %select_n3A_287, %eq3A_291 : vector<256x4096xf32>
    %jit3A_293 = arith.constant 4096 : i32
    %broadcast_in_dim3A_294 = vector.broadcast %jit3A_293 : i32 to vector<256x4096xi32>
    %select_n3A_295 = arith.select %eq3A_292, %iota3A, %broadcast_in_dim3A_294 : vector<256x4096xi1>, vector<256x4096xi32>
    %reduce_min3A_296 = arith.constant dense<2147483647> : vector<256xi32>
    %reduce_min3A_297 = vector.multi_reduction <minsi>, %select_n3A_295, %reduce_min3A_296 [1] : vector<256x4096xi32> to vector<256xi32>
    %broadcast_in_dim3A_298 = vector.shape_cast %reduce_min3A_297 : vector<256xi32> to vector<256x1xi32>
    %eq3A_299 = vector.broadcast %broadcast_in_dim3A_298 : vector<256x1xi32> to vector<256x4096xi32>
    %eq3A_300 = arith.cmpi eq, %iota3A, %eq3A_299 : vector<256x4096xi32>
    %jit3A_301 = arith.constant 0xFF800000 : f32
    %broadcast_in_dim3A_302 = vector.broadcast %jit3A_301 : f32 to vector<256x4096xf32>
    %select_n3A_303 = arith.select %eq3A_300, %broadcast_in_dim3A_302, %select_n3A_287 : vector<256x4096xi1>, vector<256x4096xf32>
    %reduce_max3A_304 = arith.constant dense<0xFF800000> : vector<256xf32>
    %reduce_max3A_305 = vector.multi_reduction <maximumf>, %select_n3A_303, %reduce_max3A_304 [1] : vector<256x4096xf32> to vector<256xf32>
    %broadcast_in_dim3A_306 = vector.shape_cast %reduce_max3A_305 : vector<256xf32> to vector<256x1xf32>
    %eq3A_307 = vector.broadcast %broadcast_in_dim3A_306 : vector<256x1xf32> to vector<256x4096xf32>
    %eq3A_308 = arith.cmpf oeq, %select_n3A_303, %eq3A_307 : vector<256x4096xf32>
    %jit3A_309 = arith.constant 4096 : i32
    %broadcast_in_dim3A_310 = vector.broadcast %jit3A_309 : i32 to vector<256x4096xi32>
    %select_n3A_311 = arith.select %eq3A_308, %iota3A, %broadcast_in_dim3A_310 : vector<256x4096xi1>, vector<256x4096xi32>
    %reduce_min3A_312 = arith.constant dense<2147483647> : vector<256xi32>
    %reduce_min3A_313 = vector.multi_reduction <minsi>, %select_n3A_311, %reduce_min3A_312 [1] : vector<256x4096xi32> to vector<256xi32>
    %broadcast_in_dim3A_314 = vector.shape_cast %reduce_min3A_313 : vector<256xi32> to vector<256x1xi32>
    %eq3A_315 = vector.broadcast %broadcast_in_dim3A_314 : vector<256x1xi32> to vector<256x4096xi32>
    %eq3A_316 = arith.cmpi eq, %iota3A, %eq3A_315 : vector<256x4096xi32>
    %jit3A_317 = arith.constant 0xFF800000 : f32
    %broadcast_in_dim3A_318 = vector.broadcast %jit3A_317 : f32 to vector<256x4096xf32>
    %select_n3A_319 = arith.select %eq3A_316, %broadcast_in_dim3A_318, %select_n3A_303 : vector<256x4096xi1>, vector<256x4096xf32>
    %reduce_max3A_320 = arith.constant dense<0xFF800000> : vector<256xf32>
    %reduce_max3A_321 = vector.multi_reduction <maximumf>, %select_n3A_319, %reduce_max3A_320 [1] : vector<256x4096xf32> to vector<256xf32>
    %broadcast_in_dim3A_322 = vector.shape_cast %reduce_max3A_321 : vector<256xf32> to vector<256x1xf32>
    %eq3A_323 = vector.broadcast %broadcast_in_dim3A_322 : vector<256x1xf32> to vector<256x4096xf32>
    %eq3A_324 = arith.cmpf oeq, %select_n3A_319, %eq3A_323 : vector<256x4096xf32>
    %jit3A_325 = arith.constant 4096 : i32
    %broadcast_in_dim3A_326 = vector.broadcast %jit3A_325 : i32 to vector<256x4096xi32>
    %select_n3A_327 = arith.select %eq3A_324, %iota3A, %broadcast_in_dim3A_326 : vector<256x4096xi1>, vector<256x4096xi32>
    %reduce_min3A_328 = arith.constant dense<2147483647> : vector<256xi32>
    %reduce_min3A_329 = vector.multi_reduction <minsi>, %select_n3A_327, %reduce_min3A_328 [1] : vector<256x4096xi32> to vector<256xi32>
    %broadcast_in_dim3A_330 = vector.shape_cast %reduce_min3A_329 : vector<256xi32> to vector<256x1xi32>
    %eq3A_331 = vector.broadcast %broadcast_in_dim3A_330 : vector<256x1xi32> to vector<256x4096xi32>
    %eq3A_332 = arith.cmpi eq, %iota3A, %eq3A_331 : vector<256x4096xi32>
    %jit3A_333 = arith.constant 0xFF800000 : f32
    %broadcast_in_dim3A_334 = vector.broadcast %jit3A_333 : f32 to vector<256x4096xf32>
    %select_n3A_335 = arith.select %eq3A_332, %broadcast_in_dim3A_334, %select_n3A_319 : vector<256x4096xi1>, vector<256x4096xf32>
    %reduce_max3A_336 = arith.constant dense<0xFF800000> : vector<256xf32>
    %reduce_max3A_337 = vector.multi_reduction <maximumf>, %select_n3A_335, %reduce_max3A_336 [1] : vector<256x4096xf32> to vector<256xf32>
    %broadcast_in_dim3A_338 = vector.shape_cast %reduce_max3A_337 : vector<256xf32> to vector<256x1xf32>
    %eq3A_339 = vector.broadcast %broadcast_in_dim3A_338 : vector<256x1xf32> to vector<256x4096xf32>
    %eq3A_340 = arith.cmpf oeq, %select_n3A_335, %eq3A_339 : vector<256x4096xf32>
    %jit3A_341 = arith.constant 4096 : i32
    %broadcast_in_dim3A_342 = vector.broadcast %jit3A_341 : i32 to vector<256x4096xi32>
    %select_n3A_343 = arith.select %eq3A_340, %iota3A, %broadcast_in_dim3A_342 : vector<256x4096xi1>, vector<256x4096xi32>
    %reduce_min3A_344 = arith.constant dense<2147483647> : vector<256xi32>
    %reduce_min3A_345 = vector.multi_reduction <minsi>, %select_n3A_343, %reduce_min3A_344 [1] : vector<256x4096xi32> to vector<256xi32>
    %broadcast_in_dim3A_346 = vector.shape_cast %reduce_min3A_345 : vector<256xi32> to vector<256x1xi32>
    %eq3A_347 = vector.broadcast %broadcast_in_dim3A_346 : vector<256x1xi32> to vector<256x4096xi32>
    %eq3A_348 = arith.cmpi eq, %iota3A, %eq3A_347 : vector<256x4096xi32>
    %jit3A_349 = arith.constant 0xFF800000 : f32
    %broadcast_in_dim3A_350 = vector.broadcast %jit3A_349 : f32 to vector<256x4096xf32>
    %select_n3A_351 = arith.select %eq3A_348, %broadcast_in_dim3A_350, %select_n3A_335 : vector<256x4096xi1>, vector<256x4096xf32>
    %reduce_max3A_352 = arith.constant dense<0xFF800000> : vector<256xf32>
    %reduce_max3A_353 = vector.multi_reduction <maximumf>, %select_n3A_351, %reduce_max3A_352 [1] : vector<256x4096xf32> to vector<256xf32>
    %broadcast_in_dim3A_354 = vector.shape_cast %reduce_max3A_353 : vector<256xf32> to vector<256x1xf32>
    %eq3A_355 = vector.broadcast %broadcast_in_dim3A_354 : vector<256x1xf32> to vector<256x4096xf32>
    %eq3A_356 = arith.cmpf oeq, %select_n3A_351, %eq3A_355 : vector<256x4096xf32>
    %jit3A_357 = arith.constant 4096 : i32
    %broadcast_in_dim3A_358 = vector.broadcast %jit3A_357 : i32 to vector<256x4096xi32>
    %select_n3A_359 = arith.select %eq3A_356, %iota3A, %broadcast_in_dim3A_358 : vector<256x4096xi1>, vector<256x4096xi32>
    %reduce_min3A_360 = arith.constant dense<2147483647> : vector<256xi32>
    %reduce_min3A_361 = vector.multi_reduction <minsi>, %select_n3A_359, %reduce_min3A_360 [1] : vector<256x4096xi32> to vector<256xi32>
    %broadcast_in_dim3A_362 = vector.shape_cast %reduce_min3A_361 : vector<256xi32> to vector<256x1xi32>
    %eq3A_363 = vector.broadcast %broadcast_in_dim3A_362 : vector<256x1xi32> to vector<256x4096xi32>
    %eq3A_364 = arith.cmpi eq, %iota3A, %eq3A_363 : vector<256x4096xi32>
    %jit3A_365 = arith.constant 0xFF800000 : f32
    %broadcast_in_dim3A_366 = vector.broadcast %jit3A_365 : f32 to vector<256x4096xf32>
    %select_n3A_367 = arith.select %eq3A_364, %broadcast_in_dim3A_366, %select_n3A_351 : vector<256x4096xi1>, vector<256x4096xf32>
    %reduce_max3A_368 = arith.constant dense<0xFF800000> : vector<256xf32>
    %reduce_max3A_369 = vector.multi_reduction <maximumf>, %select_n3A_367, %reduce_max3A_368 [1] : vector<256x4096xf32> to vector<256xf32>
    %broadcast_in_dim3A_370 = vector.shape_cast %reduce_max3A_369 : vector<256xf32> to vector<256x1xf32>
    %eq3A_371 = vector.broadcast %broadcast_in_dim3A_370 : vector<256x1xf32> to vector<256x4096xf32>
    %eq3A_372 = arith.cmpf oeq, %select_n3A_367, %eq3A_371 : vector<256x4096xf32>
    %jit3A_373 = arith.constant 4096 : i32
    %broadcast_in_dim3A_374 = vector.broadcast %jit3A_373 : i32 to vector<256x4096xi32>
    %select_n3A_375 = arith.select %eq3A_372, %iota3A, %broadcast_in_dim3A_374 : vector<256x4096xi1>, vector<256x4096xi32>
    %reduce_min3A_376 = arith.constant dense<2147483647> : vector<256xi32>
    %reduce_min3A_377 = vector.multi_reduction <minsi>, %select_n3A_375, %reduce_min3A_376 [1] : vector<256x4096xi32> to vector<256xi32>
    %broadcast_in_dim3A_378 = vector.shape_cast %reduce_min3A_377 : vector<256xi32> to vector<256x1xi32>
    %eq3A_379 = vector.broadcast %broadcast_in_dim3A_378 : vector<256x1xi32> to vector<256x4096xi32>
    %eq3A_380 = arith.cmpi eq, %iota3A, %eq3A_379 : vector<256x4096xi32>
    %jit3A_381 = arith.constant 0xFF800000 : f32
    %broadcast_in_dim3A_382 = vector.broadcast %jit3A_381 : f32 to vector<256x4096xf32>
    %select_n3A_383 = arith.select %eq3A_380, %broadcast_in_dim3A_382, %select_n3A_367 : vector<256x4096xi1>, vector<256x4096xf32>
    %reduce_max3A_384 = arith.constant dense<0xFF800000> : vector<256xf32>
    %reduce_max3A_385 = vector.multi_reduction <maximumf>, %select_n3A_383, %reduce_max3A_384 [1] : vector<256x4096xf32> to vector<256xf32>
    %broadcast_in_dim3A_386 = vector.shape_cast %reduce_max3A_385 : vector<256xf32> to vector<256x1xf32>
    %eq3A_387 = vector.broadcast %broadcast_in_dim3A_386 : vector<256x1xf32> to vector<256x4096xf32>
    %eq3A_388 = arith.cmpf oeq, %select_n3A_383, %eq3A_387 : vector<256x4096xf32>
    %jit3A_389 = arith.constant 4096 : i32
    %broadcast_in_dim3A_390 = vector.broadcast %jit3A_389 : i32 to vector<256x4096xi32>
    %select_n3A_391 = arith.select %eq3A_388, %iota3A, %broadcast_in_dim3A_390 : vector<256x4096xi1>, vector<256x4096xi32>
    %reduce_min3A_392 = arith.constant dense<2147483647> : vector<256xi32>
    %reduce_min3A_393 = vector.multi_reduction <minsi>, %select_n3A_391, %reduce_min3A_392 [1] : vector<256x4096xi32> to vector<256xi32>
    %broadcast_in_dim3A_394 = vector.shape_cast %reduce_min3A_393 : vector<256xi32> to vector<256x1xi32>
    %eq3A_395 = vector.broadcast %broadcast_in_dim3A_394 : vector<256x1xi32> to vector<256x4096xi32>
    %eq3A_396 = arith.cmpi eq, %iota3A, %eq3A_395 : vector<256x4096xi32>
    %jit3A_397 = arith.constant 0xFF800000 : f32
    %broadcast_in_dim3A_398 = vector.broadcast %jit3A_397 : f32 to vector<256x4096xf32>
    %select_n3A_399 = arith.select %eq3A_396, %broadcast_in_dim3A_398, %select_n3A_383 : vector<256x4096xi1>, vector<256x4096xf32>
    %reduce_max3A_400 = arith.constant dense<0xFF800000> : vector<256xf32>
    %reduce_max3A_401 = vector.multi_reduction <maximumf>, %select_n3A_399, %reduce_max3A_400 [1] : vector<256x4096xf32> to vector<256xf32>
    %broadcast_in_dim3A_402 = vector.shape_cast %reduce_max3A_401 : vector<256xf32> to vector<256x1xf32>
    %eq3A_403 = vector.broadcast %broadcast_in_dim3A_402 : vector<256x1xf32> to vector<256x4096xf32>
    %eq3A_404 = arith.cmpf oeq, %select_n3A_399, %eq3A_403 : vector<256x4096xf32>
    %jit3A_405 = arith.constant 4096 : i32
    %broadcast_in_dim3A_406 = vector.broadcast %jit3A_405 : i32 to vector<256x4096xi32>
    %select_n3A_407 = arith.select %eq3A_404, %iota3A, %broadcast_in_dim3A_406 : vector<256x4096xi1>, vector<256x4096xi32>
    %reduce_min3A_408 = arith.constant dense<2147483647> : vector<256xi32>
    %reduce_min3A_409 = vector.multi_reduction <minsi>, %select_n3A_407, %reduce_min3A_408 [1] : vector<256x4096xi32> to vector<256xi32>
    %broadcast_in_dim3A_410 = vector.shape_cast %reduce_min3A_409 : vector<256xi32> to vector<256x1xi32>
    %eq3A_411 = vector.broadcast %broadcast_in_dim3A_410 : vector<256x1xi32> to vector<256x4096xi32>
    %eq3A_412 = arith.cmpi eq, %iota3A, %eq3A_411 : vector<256x4096xi32>
    %jit3A_413 = arith.constant 0xFF800000 : f32
    %broadcast_in_dim3A_414 = vector.broadcast %jit3A_413 : f32 to vector<256x4096xf32>
    %select_n3A_415 = arith.select %eq3A_412, %broadcast_in_dim3A_414, %select_n3A_399 : vector<256x4096xi1>, vector<256x4096xf32>
    %reduce_max3A_416 = arith.constant dense<0xFF800000> : vector<256xf32>
    %reduce_max3A_417 = vector.multi_reduction <maximumf>, %select_n3A_415, %reduce_max3A_416 [1] : vector<256x4096xf32> to vector<256xf32>
    %broadcast_in_dim3A_418 = vector.shape_cast %reduce_max3A_417 : vector<256xf32> to vector<256x1xf32>
    %eq3A_419 = vector.broadcast %broadcast_in_dim3A_418 : vector<256x1xf32> to vector<256x4096xf32>
    %eq3A_420 = arith.cmpf oeq, %select_n3A_415, %eq3A_419 : vector<256x4096xf32>
    %jit3A_421 = arith.constant 4096 : i32
    %broadcast_in_dim3A_422 = vector.broadcast %jit3A_421 : i32 to vector<256x4096xi32>
    %select_n3A_423 = arith.select %eq3A_420, %iota3A, %broadcast_in_dim3A_422 : vector<256x4096xi1>, vector<256x4096xi32>
    %reduce_min3A_424 = arith.constant dense<2147483647> : vector<256xi32>
    %reduce_min3A_425 = vector.multi_reduction <minsi>, %select_n3A_423, %reduce_min3A_424 [1] : vector<256x4096xi32> to vector<256xi32>
    %broadcast_in_dim3A_426 = vector.shape_cast %reduce_min3A_425 : vector<256xi32> to vector<256x1xi32>
    %eq3A_427 = vector.broadcast %broadcast_in_dim3A_426 : vector<256x1xi32> to vector<256x4096xi32>
    %eq3A_428 = arith.cmpi eq, %iota3A, %eq3A_427 : vector<256x4096xi32>
    %jit3A_429 = arith.constant 0xFF800000 : f32
    %broadcast_in_dim3A_430 = vector.broadcast %jit3A_429 : f32 to vector<256x4096xf32>
    %select_n3A_431 = arith.select %eq3A_428, %broadcast_in_dim3A_430, %select_n3A_415 : vector<256x4096xi1>, vector<256x4096xf32>
    %reduce_max3A_432 = arith.constant dense<0xFF800000> : vector<256xf32>
    %reduce_max3A_433 = vector.multi_reduction <maximumf>, %select_n3A_431, %reduce_max3A_432 [1] : vector<256x4096xf32> to vector<256xf32>
    %broadcast_in_dim3A_434 = vector.shape_cast %reduce_max3A_433 : vector<256xf32> to vector<256x1xf32>
    %eq3A_435 = vector.broadcast %broadcast_in_dim3A_434 : vector<256x1xf32> to vector<256x4096xf32>
    %eq3A_436 = arith.cmpf oeq, %select_n3A_431, %eq3A_435 : vector<256x4096xf32>
    %jit3A_437 = arith.constant 4096 : i32
    %broadcast_in_dim3A_438 = vector.broadcast %jit3A_437 : i32 to vector<256x4096xi32>
    %select_n3A_439 = arith.select %eq3A_436, %iota3A, %broadcast_in_dim3A_438 : vector<256x4096xi1>, vector<256x4096xi32>
    %reduce_min3A_440 = arith.constant dense<2147483647> : vector<256xi32>
    %reduce_min3A_441 = vector.multi_reduction <minsi>, %select_n3A_439, %reduce_min3A_440 [1] : vector<256x4096xi32> to vector<256xi32>
    %broadcast_in_dim3A_442 = vector.shape_cast %reduce_min3A_441 : vector<256xi32> to vector<256x1xi32>
    %eq3A_443 = vector.broadcast %broadcast_in_dim3A_442 : vector<256x1xi32> to vector<256x4096xi32>
    %eq3A_444 = arith.cmpi eq, %iota3A, %eq3A_443 : vector<256x4096xi32>
    %jit3A_445 = arith.constant 0xFF800000 : f32
    %broadcast_in_dim3A_446 = vector.broadcast %jit3A_445 : f32 to vector<256x4096xf32>
    %select_n3A_447 = arith.select %eq3A_444, %broadcast_in_dim3A_446, %select_n3A_431 : vector<256x4096xi1>, vector<256x4096xf32>
    %reduce_max3A_448 = arith.constant dense<0xFF800000> : vector<256xf32>
    %reduce_max3A_449 = vector.multi_reduction <maximumf>, %select_n3A_447, %reduce_max3A_448 [1] : vector<256x4096xf32> to vector<256xf32>
    %broadcast_in_dim3A_450 = vector.shape_cast %reduce_max3A_449 : vector<256xf32> to vector<256x1xf32>
    %eq3A_451 = vector.broadcast %broadcast_in_dim3A_450 : vector<256x1xf32> to vector<256x4096xf32>
    %eq3A_452 = arith.cmpf oeq, %select_n3A_447, %eq3A_451 : vector<256x4096xf32>
    %jit3A_453 = arith.constant 4096 : i32
    %broadcast_in_dim3A_454 = vector.broadcast %jit3A_453 : i32 to vector<256x4096xi32>
    %select_n3A_455 = arith.select %eq3A_452, %iota3A, %broadcast_in_dim3A_454 : vector<256x4096xi1>, vector<256x4096xi32>
    %reduce_min3A_456 = arith.constant dense<2147483647> : vector<256xi32>
    %reduce_min3A_457 = vector.multi_reduction <minsi>, %select_n3A_455, %reduce_min3A_456 [1] : vector<256x4096xi32> to vector<256xi32>
    %broadcast_in_dim3A_458 = vector.shape_cast %reduce_min3A_457 : vector<256xi32> to vector<256x1xi32>
    %eq3A_459 = vector.broadcast %broadcast_in_dim3A_458 : vector<256x1xi32> to vector<256x4096xi32>
    %eq3A_460 = arith.cmpi eq, %iota3A, %eq3A_459 : vector<256x4096xi32>
    %jit3A_461 = arith.constant 0xFF800000 : f32
    %broadcast_in_dim3A_462 = vector.broadcast %jit3A_461 : f32 to vector<256x4096xf32>
    %select_n3A_463 = arith.select %eq3A_460, %broadcast_in_dim3A_462, %select_n3A_447 : vector<256x4096xi1>, vector<256x4096xf32>
    %reduce_max3A_464 = arith.constant dense<0xFF800000> : vector<256xf32>
    %reduce_max3A_465 = vector.multi_reduction <maximumf>, %select_n3A_463, %reduce_max3A_464 [1] : vector<256x4096xf32> to vector<256xf32>
    %broadcast_in_dim3A_466 = vector.shape_cast %reduce_max3A_465 : vector<256xf32> to vector<256x1xf32>
    %eq3A_467 = vector.broadcast %broadcast_in_dim3A_466 : vector<256x1xf32> to vector<256x4096xf32>
    %eq3A_468 = arith.cmpf oeq, %select_n3A_463, %eq3A_467 : vector<256x4096xf32>
    %jit3A_469 = arith.constant 4096 : i32
    %broadcast_in_dim3A_470 = vector.broadcast %jit3A_469 : i32 to vector<256x4096xi32>
    %select_n3A_471 = arith.select %eq3A_468, %iota3A, %broadcast_in_dim3A_470 : vector<256x4096xi1>, vector<256x4096xi32>
    %reduce_min3A_472 = arith.constant dense<2147483647> : vector<256xi32>
    %reduce_min3A_473 = vector.multi_reduction <minsi>, %select_n3A_471, %reduce_min3A_472 [1] : vector<256x4096xi32> to vector<256xi32>
    %broadcast_in_dim3A_474 = vector.shape_cast %reduce_min3A_473 : vector<256xi32> to vector<256x1xi32>
    %eq3A_475 = vector.broadcast %broadcast_in_dim3A_474 : vector<256x1xi32> to vector<256x4096xi32>
    %eq3A_476 = arith.cmpi eq, %iota3A, %eq3A_475 : vector<256x4096xi32>
    %jit3A_477 = arith.constant 0xFF800000 : f32
    %broadcast_in_dim3A_478 = vector.broadcast %jit3A_477 : f32 to vector<256x4096xf32>
    %select_n3A_479 = arith.select %eq3A_476, %broadcast_in_dim3A_478, %select_n3A_463 : vector<256x4096xi1>, vector<256x4096xf32>
    %reduce_max3A_480 = arith.constant dense<0xFF800000> : vector<256xf32>
    %reduce_max3A_481 = vector.multi_reduction <maximumf>, %select_n3A_479, %reduce_max3A_480 [1] : vector<256x4096xf32> to vector<256xf32>
    %broadcast_in_dim3A_482 = vector.shape_cast %reduce_max3A_481 : vector<256xf32> to vector<256x1xf32>
    %eq3A_483 = vector.broadcast %broadcast_in_dim3A_482 : vector<256x1xf32> to vector<256x4096xf32>
    %eq3A_484 = arith.cmpf oeq, %select_n3A_479, %eq3A_483 : vector<256x4096xf32>
    %jit3A_485 = arith.constant 4096 : i32
    %broadcast_in_dim3A_486 = vector.broadcast %jit3A_485 : i32 to vector<256x4096xi32>
    %select_n3A_487 = arith.select %eq3A_484, %iota3A, %broadcast_in_dim3A_486 : vector<256x4096xi1>, vector<256x4096xi32>
    %reduce_min3A_488 = arith.constant dense<2147483647> : vector<256xi32>
    %reduce_min3A_489 = vector.multi_reduction <minsi>, %select_n3A_487, %reduce_min3A_488 [1] : vector<256x4096xi32> to vector<256xi32>
    %broadcast_in_dim3A_490 = vector.shape_cast %reduce_min3A_489 : vector<256xi32> to vector<256x1xi32>
    %eq3A_491 = vector.broadcast %broadcast_in_dim3A_490 : vector<256x1xi32> to vector<256x4096xi32>
    %eq3A_492 = arith.cmpi eq, %iota3A, %eq3A_491 : vector<256x4096xi32>
    %jit3A_493 = arith.constant 0xFF800000 : f32
    %broadcast_in_dim3A_494 = vector.broadcast %jit3A_493 : f32 to vector<256x4096xf32>
    %select_n3A_495 = arith.select %eq3A_492, %broadcast_in_dim3A_494, %select_n3A_479 : vector<256x4096xi1>, vector<256x4096xf32>
    %reduce_max3A_496 = arith.constant dense<0xFF800000> : vector<256xf32>
    %reduce_max3A_497 = vector.multi_reduction <maximumf>, %select_n3A_495, %reduce_max3A_496 [1] : vector<256x4096xf32> to vector<256xf32>
    %broadcast_in_dim3A_498 = vector.shape_cast %reduce_max3A_497 : vector<256xf32> to vector<256x1xf32>
    %eq3A_499 = vector.broadcast %broadcast_in_dim3A_498 : vector<256x1xf32> to vector<256x4096xf32>
    %eq3A_500 = arith.cmpf oeq, %select_n3A_495, %eq3A_499 : vector<256x4096xf32>
    %jit3A_501 = arith.constant 4096 : i32
    %broadcast_in_dim3A_502 = vector.broadcast %jit3A_501 : i32 to vector<256x4096xi32>
    %select_n3A_503 = arith.select %eq3A_500, %iota3A, %broadcast_in_dim3A_502 : vector<256x4096xi1>, vector<256x4096xi32>
    %reduce_min3A_504 = arith.constant dense<2147483647> : vector<256xi32>
    %reduce_min3A_505 = vector.multi_reduction <minsi>, %select_n3A_503, %reduce_min3A_504 [1] : vector<256x4096xi32> to vector<256xi32>
    %broadcast_in_dim3A_506 = vector.shape_cast %reduce_min3A_505 : vector<256xi32> to vector<256x1xi32>
    %eq3A_507 = vector.broadcast %broadcast_in_dim3A_506 : vector<256x1xi32> to vector<256x4096xi32>
    %eq3A_508 = arith.cmpi eq, %iota3A, %eq3A_507 : vector<256x4096xi32>
    %jit3A_509 = arith.constant 0xFF800000 : f32
    %broadcast_in_dim3A_510 = vector.broadcast %jit3A_509 : f32 to vector<256x4096xf32>
    %select_n3A_511 = arith.select %eq3A_508, %broadcast_in_dim3A_510, %select_n3A_495 : vector<256x4096xi1>, vector<256x4096xf32>
    %reduce_max3A_512 = arith.constant dense<0xFF800000> : vector<256xf32>
    %reduce_max3A_513 = vector.multi_reduction <maximumf>, %select_n3A_511, %reduce_max3A_512 [1] : vector<256x4096xf32> to vector<256xf32>
    %broadcast_in_dim3A_514 = vector.shape_cast %reduce_max3A_513 : vector<256xf32> to vector<256x1xf32>
    %eq3A_515 = vector.broadcast %broadcast_in_dim3A_514 : vector<256x1xf32> to vector<256x4096xf32>
    %eq3A_516 = arith.cmpf oeq, %select_n3A_511, %eq3A_515 : vector<256x4096xf32>
    %jit3A_517 = arith.constant 4096 : i32
    %broadcast_in_dim3A_518 = vector.broadcast %jit3A_517 : i32 to vector<256x4096xi32>
    %select_n3A_519 = arith.select %eq3A_516, %iota3A, %broadcast_in_dim3A_518 : vector<256x4096xi1>, vector<256x4096xi32>
    %reduce_min3A_520 = arith.constant dense<2147483647> : vector<256xi32>
    %reduce_min3A_521 = vector.multi_reduction <minsi>, %select_n3A_519, %reduce_min3A_520 [1] : vector<256x4096xi32> to vector<256xi32>
    %broadcast_in_dim3A_522 = vector.shape_cast %reduce_min3A_521 : vector<256xi32> to vector<256x1xi32>
    %concatenate3A = tpu.concatenate %broadcast_in_dim3A_26, %broadcast_in_dim3A_42, %broadcast_in_dim3A_58, %broadcast_in_dim3A_74, %broadcast_in_dim3A_90, %broadcast_in_dim3A_106, %broadcast_in_dim3A_122, %broadcast_in_dim3A_138, %broadcast_in_dim3A_154, %broadcast_in_dim3A_170, %broadcast_in_dim3A_186, %broadcast_in_dim3A_202, %broadcast_in_dim3A_218, %broadcast_in_dim3A_234, %broadcast_in_dim3A_250, %broadcast_in_dim3A_266, %broadcast_in_dim3A_282, %broadcast_in_dim3A_298, %broadcast_in_dim3A_314, %broadcast_in_dim3A_330, %broadcast_in_dim3A_346, %broadcast_in_dim3A_362, %broadcast_in_dim3A_378, %broadcast_in_dim3A_394, %broadcast_in_dim3A_410, %broadcast_in_dim3A_426, %broadcast_in_dim3A_442, %broadcast_in_dim3A_458, %broadcast_in_dim3A_474, %broadcast_in_dim3A_490, %broadcast_in_dim3A_506, %broadcast_in_dim3A_522 in 1 : vector<256x1xi32>, vector<256x1xi32>, vector<256x1xi32>, vector<256x1xi32>, vector<256x1xi32>, vector<256x1xi32>, vector<256x1xi32>, vector<256x1xi32>, vector<256x1xi32>, vector<256x1xi32>, vector<256x1xi32>, vector<256x1xi32>, vector<256x1xi32>, vector<256x1xi32>, vector<256x1xi32>, vector<256x1xi32>, vector<256x1xi32>, vector<256x1xi32>, vector<256x1xi32>, vector<256x1xi32>, vector<256x1xi32>, vector<256x1xi32>, vector<256x1xi32>, vector<256x1xi32>, vector<256x1xi32>, vector<256x1xi32>, vector<256x1xi32>, vector<256x1xi32>, vector<256x1xi32>, vector<256x1xi32>, vector<256x1xi32>, vector<256x1xi32> -> vector<256x32xi32>
    %swap3A = arith.constant 0 : index
    %swap3A_523 = arith.constant 0 : index
    %swap3A_524 = vector.load %arg3[%swap3A, %swap3A_523] : memref<256x32xi32, #tpu.memory_space<vmem>>, vector<256x32xi32>
    tpu.vector_store %arg3[%swap3A, %swap3A_523], %concatenate3A {strides = array<i32>} : memref<256x32xi32, #tpu.memory_space<vmem>>, vector<256x32xi32>,
    return
  }
  func.func @transform_0(%arg0: i32) -> (i32, i32) {
    %c0_i32 = arith.constant 0 : i32
    %c0_i32_0 = arith.constant 0 : i32
    return %arg0, %c0_i32 : i32, i32
  }
  func.func @transform_1(%arg0: i32) -> (i32, i32) {
    %c0_i32 = arith.constant 0 : i32
    %c0_i32_0 = arith.constant 0 : i32
    %c0_i32_1 = arith.constant 0 : i32
    return %c0_i32, %c0_i32_0 : i32, i32
  }
  func.func @transform_2(%arg0: i32) -> (i32, i32) {
    %c0_i32 = arith.constant 0 : i32
    %c0_i32_0 = arith.constant 0 : i32
    return %arg0, %c0_i32 : i32, i32
  }
}

module attributes {stable_mosaic.version = 14 : i64} {
  func.func @_adj_kernel(%arg0: i32, %arg1: memref<128x32xi32, #tpu.memory_space<vmem>>, %arg2: memref<128x4096xf32, #tpu.memory_space<vmem>>) attributes {dimension_semantics = [#tpu.dimension_semantics<arbitrary>], iteration_bounds = array<i64: 32>, scalar_prefetch = 0 : i64, scratch_operands = 0 : i64, tpu.core_type = #tpu.core_type<tc>, window_params = [{transform_indices = @transform_0, window_bounds = array<i64: 128, 32>}, {transform_indices = @transform_1, window_bounds = array<i64: 128, 4096>}]} {
    %iota3A = tpu.iota {dimensions = array<i32: 1>} : vector<128x4096xi32>
    %get3A = arith.constant 0 : index
    %get3A_0 = arith.constant 0 : index
    %get3A_1 = vector.load %arg1[%get3A, %get3A_0] : memref<128x32xi32, #tpu.memory_space<vmem>>, vector<128x32xi32>
    %broadcast_in_dim3A = arith.constant 0.000000e+00 : f32
    %broadcast_in_dim3A_2 = vector.broadcast %broadcast_in_dim3A : f32 to vector<128x4096xf32>
    %slice3A = vector.extract_strided_slice %get3A_1 {offsets = [0, 0], sizes = [128, 1], strides = [1, 1]} : vector<128x32xi32> to vector<128x1xi32>
    %eq3A = vector.broadcast %slice3A : vector<128x1xi32> to vector<128x4096xi32>
    %eq3A_3 = arith.cmpi eq, %eq3A, %iota3A : vector<128x4096xi32>
    %convert_element_type3A = arith.extui %eq3A_3 : vector<128x4096xi1> to vector<128x4096xi32>
    %convert_element_type3A_4 = arith.sitofp %convert_element_type3A : vector<128x4096xi32> to vector<128x4096xf32>
    %add3A = arith.addf %broadcast_in_dim3A_2, %convert_element_type3A_4 : vector<128x4096xf32>
    %slice3A_5 = vector.extract_strided_slice %get3A_1 {offsets = [0, 1], sizes = [128, 1], strides = [1, 1]} : vector<128x32xi32> to vector<128x1xi32>
    %eq3A_6 = vector.broadcast %slice3A_5 : vector<128x1xi32> to vector<128x4096xi32>
    %eq3A_7 = arith.cmpi eq, %eq3A_6, %iota3A : vector<128x4096xi32>
    %convert_element_type3A_8 = arith.extui %eq3A_7 : vector<128x4096xi1> to vector<128x4096xi32>
    %convert_element_type3A_9 = arith.sitofp %convert_element_type3A_8 : vector<128x4096xi32> to vector<128x4096xf32>
    %add3A_10 = arith.addf %add3A, %convert_element_type3A_9 : vector<128x4096xf32>
    %slice3A_11 = vector.extract_strided_slice %get3A_1 {offsets = [0, 2], sizes = [128, 1], strides = [1, 1]} : vector<128x32xi32> to vector<128x1xi32>
    %eq3A_12 = vector.broadcast %slice3A_11 : vector<128x1xi32> to vector<128x4096xi32>
    %eq3A_13 = arith.cmpi eq, %eq3A_12, %iota3A : vector<128x4096xi32>
    %convert_element_type3A_14 = arith.extui %eq3A_13 : vector<128x4096xi1> to vector<128x4096xi32>
    %convert_element_type3A_15 = arith.sitofp %convert_element_type3A_14 : vector<128x4096xi32> to vector<128x4096xf32>
    %add3A_16 = arith.addf %add3A_10, %convert_element_type3A_15 : vector<128x4096xf32>
    %slice3A_17 = vector.extract_strided_slice %get3A_1 {offsets = [0, 3], sizes = [128, 1], strides = [1, 1]} : vector<128x32xi32> to vector<128x1xi32>
    %eq3A_18 = vector.broadcast %slice3A_17 : vector<128x1xi32> to vector<128x4096xi32>
    %eq3A_19 = arith.cmpi eq, %eq3A_18, %iota3A : vector<128x4096xi32>
    %convert_element_type3A_20 = arith.extui %eq3A_19 : vector<128x4096xi1> to vector<128x4096xi32>
    %convert_element_type3A_21 = arith.sitofp %convert_element_type3A_20 : vector<128x4096xi32> to vector<128x4096xf32>
    %add3A_22 = arith.addf %add3A_16, %convert_element_type3A_21 : vector<128x4096xf32>
    %slice3A_23 = vector.extract_strided_slice %get3A_1 {offsets = [0, 4], sizes = [128, 1], strides = [1, 1]} : vector<128x32xi32> to vector<128x1xi32>
    %eq3A_24 = vector.broadcast %slice3A_23 : vector<128x1xi32> to vector<128x4096xi32>
    %eq3A_25 = arith.cmpi eq, %eq3A_24, %iota3A : vector<128x4096xi32>
    %convert_element_type3A_26 = arith.extui %eq3A_25 : vector<128x4096xi1> to vector<128x4096xi32>
    %convert_element_type3A_27 = arith.sitofp %convert_element_type3A_26 : vector<128x4096xi32> to vector<128x4096xf32>
    %add3A_28 = arith.addf %add3A_22, %convert_element_type3A_27 : vector<128x4096xf32>
    %slice3A_29 = vector.extract_strided_slice %get3A_1 {offsets = [0, 5], sizes = [128, 1], strides = [1, 1]} : vector<128x32xi32> to vector<128x1xi32>
    %eq3A_30 = vector.broadcast %slice3A_29 : vector<128x1xi32> to vector<128x4096xi32>
    %eq3A_31 = arith.cmpi eq, %eq3A_30, %iota3A : vector<128x4096xi32>
    %convert_element_type3A_32 = arith.extui %eq3A_31 : vector<128x4096xi1> to vector<128x4096xi32>
    %convert_element_type3A_33 = arith.sitofp %convert_element_type3A_32 : vector<128x4096xi32> to vector<128x4096xf32>
    %add3A_34 = arith.addf %add3A_28, %convert_element_type3A_33 : vector<128x4096xf32>
    %slice3A_35 = vector.extract_strided_slice %get3A_1 {offsets = [0, 6], sizes = [128, 1], strides = [1, 1]} : vector<128x32xi32> to vector<128x1xi32>
    %eq3A_36 = vector.broadcast %slice3A_35 : vector<128x1xi32> to vector<128x4096xi32>
    %eq3A_37 = arith.cmpi eq, %eq3A_36, %iota3A : vector<128x4096xi32>
    %convert_element_type3A_38 = arith.extui %eq3A_37 : vector<128x4096xi1> to vector<128x4096xi32>
    %convert_element_type3A_39 = arith.sitofp %convert_element_type3A_38 : vector<128x4096xi32> to vector<128x4096xf32>
    %add3A_40 = arith.addf %add3A_34, %convert_element_type3A_39 : vector<128x4096xf32>
    %slice3A_41 = vector.extract_strided_slice %get3A_1 {offsets = [0, 7], sizes = [128, 1], strides = [1, 1]} : vector<128x32xi32> to vector<128x1xi32>
    %eq3A_42 = vector.broadcast %slice3A_41 : vector<128x1xi32> to vector<128x4096xi32>
    %eq3A_43 = arith.cmpi eq, %eq3A_42, %iota3A : vector<128x4096xi32>
    %convert_element_type3A_44 = arith.extui %eq3A_43 : vector<128x4096xi1> to vector<128x4096xi32>
    %convert_element_type3A_45 = arith.sitofp %convert_element_type3A_44 : vector<128x4096xi32> to vector<128x4096xf32>
    %add3A_46 = arith.addf %add3A_40, %convert_element_type3A_45 : vector<128x4096xf32>
    %slice3A_47 = vector.extract_strided_slice %get3A_1 {offsets = [0, 8], sizes = [128, 1], strides = [1, 1]} : vector<128x32xi32> to vector<128x1xi32>
    %eq3A_48 = vector.broadcast %slice3A_47 : vector<128x1xi32> to vector<128x4096xi32>
    %eq3A_49 = arith.cmpi eq, %eq3A_48, %iota3A : vector<128x4096xi32>
    %convert_element_type3A_50 = arith.extui %eq3A_49 : vector<128x4096xi1> to vector<128x4096xi32>
    %convert_element_type3A_51 = arith.sitofp %convert_element_type3A_50 : vector<128x4096xi32> to vector<128x4096xf32>
    %add3A_52 = arith.addf %add3A_46, %convert_element_type3A_51 : vector<128x4096xf32>
    %slice3A_53 = vector.extract_strided_slice %get3A_1 {offsets = [0, 9], sizes = [128, 1], strides = [1, 1]} : vector<128x32xi32> to vector<128x1xi32>
    %eq3A_54 = vector.broadcast %slice3A_53 : vector<128x1xi32> to vector<128x4096xi32>
    %eq3A_55 = arith.cmpi eq, %eq3A_54, %iota3A : vector<128x4096xi32>
    %convert_element_type3A_56 = arith.extui %eq3A_55 : vector<128x4096xi1> to vector<128x4096xi32>
    %convert_element_type3A_57 = arith.sitofp %convert_element_type3A_56 : vector<128x4096xi32> to vector<128x4096xf32>
    %add3A_58 = arith.addf %add3A_52, %convert_element_type3A_57 : vector<128x4096xf32>
    %slice3A_59 = vector.extract_strided_slice %get3A_1 {offsets = [0, 10], sizes = [128, 1], strides = [1, 1]} : vector<128x32xi32> to vector<128x1xi32>
    %eq3A_60 = vector.broadcast %slice3A_59 : vector<128x1xi32> to vector<128x4096xi32>
    %eq3A_61 = arith.cmpi eq, %eq3A_60, %iota3A : vector<128x4096xi32>
    %convert_element_type3A_62 = arith.extui %eq3A_61 : vector<128x4096xi1> to vector<128x4096xi32>
    %convert_element_type3A_63 = arith.sitofp %convert_element_type3A_62 : vector<128x4096xi32> to vector<128x4096xf32>
    %add3A_64 = arith.addf %add3A_58, %convert_element_type3A_63 : vector<128x4096xf32>
    %slice3A_65 = vector.extract_strided_slice %get3A_1 {offsets = [0, 11], sizes = [128, 1], strides = [1, 1]} : vector<128x32xi32> to vector<128x1xi32>
    %eq3A_66 = vector.broadcast %slice3A_65 : vector<128x1xi32> to vector<128x4096xi32>
    %eq3A_67 = arith.cmpi eq, %eq3A_66, %iota3A : vector<128x4096xi32>
    %convert_element_type3A_68 = arith.extui %eq3A_67 : vector<128x4096xi1> to vector<128x4096xi32>
    %convert_element_type3A_69 = arith.sitofp %convert_element_type3A_68 : vector<128x4096xi32> to vector<128x4096xf32>
    %add3A_70 = arith.addf %add3A_64, %convert_element_type3A_69 : vector<128x4096xf32>
    %slice3A_71 = vector.extract_strided_slice %get3A_1 {offsets = [0, 12], sizes = [128, 1], strides = [1, 1]} : vector<128x32xi32> to vector<128x1xi32>
    %eq3A_72 = vector.broadcast %slice3A_71 : vector<128x1xi32> to vector<128x4096xi32>
    %eq3A_73 = arith.cmpi eq, %eq3A_72, %iota3A : vector<128x4096xi32>
    %convert_element_type3A_74 = arith.extui %eq3A_73 : vector<128x4096xi1> to vector<128x4096xi32>
    %convert_element_type3A_75 = arith.sitofp %convert_element_type3A_74 : vector<128x4096xi32> to vector<128x4096xf32>
    %add3A_76 = arith.addf %add3A_70, %convert_element_type3A_75 : vector<128x4096xf32>
    %slice3A_77 = vector.extract_strided_slice %get3A_1 {offsets = [0, 13], sizes = [128, 1], strides = [1, 1]} : vector<128x32xi32> to vector<128x1xi32>
    %eq3A_78 = vector.broadcast %slice3A_77 : vector<128x1xi32> to vector<128x4096xi32>
    %eq3A_79 = arith.cmpi eq, %eq3A_78, %iota3A : vector<128x4096xi32>
    %convert_element_type3A_80 = arith.extui %eq3A_79 : vector<128x4096xi1> to vector<128x4096xi32>
    %convert_element_type3A_81 = arith.sitofp %convert_element_type3A_80 : vector<128x4096xi32> to vector<128x4096xf32>
    %add3A_82 = arith.addf %add3A_76, %convert_element_type3A_81 : vector<128x4096xf32>
    %slice3A_83 = vector.extract_strided_slice %get3A_1 {offsets = [0, 14], sizes = [128, 1], strides = [1, 1]} : vector<128x32xi32> to vector<128x1xi32>
    %eq3A_84 = vector.broadcast %slice3A_83 : vector<128x1xi32> to vector<128x4096xi32>
    %eq3A_85 = arith.cmpi eq, %eq3A_84, %iota3A : vector<128x4096xi32>
    %convert_element_type3A_86 = arith.extui %eq3A_85 : vector<128x4096xi1> to vector<128x4096xi32>
    %convert_element_type3A_87 = arith.sitofp %convert_element_type3A_86 : vector<128x4096xi32> to vector<128x4096xf32>
    %add3A_88 = arith.addf %add3A_82, %convert_element_type3A_87 : vector<128x4096xf32>
    %slice3A_89 = vector.extract_strided_slice %get3A_1 {offsets = [0, 15], sizes = [128, 1], strides = [1, 1]} : vector<128x32xi32> to vector<128x1xi32>
    %eq3A_90 = vector.broadcast %slice3A_89 : vector<128x1xi32> to vector<128x4096xi32>
    %eq3A_91 = arith.cmpi eq, %eq3A_90, %iota3A : vector<128x4096xi32>
    %convert_element_type3A_92 = arith.extui %eq3A_91 : vector<128x4096xi1> to vector<128x4096xi32>
    %convert_element_type3A_93 = arith.sitofp %convert_element_type3A_92 : vector<128x4096xi32> to vector<128x4096xf32>
    %add3A_94 = arith.addf %add3A_88, %convert_element_type3A_93 : vector<128x4096xf32>
    %slice3A_95 = vector.extract_strided_slice %get3A_1 {offsets = [0, 16], sizes = [128, 1], strides = [1, 1]} : vector<128x32xi32> to vector<128x1xi32>
    %eq3A_96 = vector.broadcast %slice3A_95 : vector<128x1xi32> to vector<128x4096xi32>
    %eq3A_97 = arith.cmpi eq, %eq3A_96, %iota3A : vector<128x4096xi32>
    %convert_element_type3A_98 = arith.extui %eq3A_97 : vector<128x4096xi1> to vector<128x4096xi32>
    %convert_element_type3A_99 = arith.sitofp %convert_element_type3A_98 : vector<128x4096xi32> to vector<128x4096xf32>
    %add3A_100 = arith.addf %add3A_94, %convert_element_type3A_99 : vector<128x4096xf32>
    %slice3A_101 = vector.extract_strided_slice %get3A_1 {offsets = [0, 17], sizes = [128, 1], strides = [1, 1]} : vector<128x32xi32> to vector<128x1xi32>
    %eq3A_102 = vector.broadcast %slice3A_101 : vector<128x1xi32> to vector<128x4096xi32>
    %eq3A_103 = arith.cmpi eq, %eq3A_102, %iota3A : vector<128x4096xi32>
    %convert_element_type3A_104 = arith.extui %eq3A_103 : vector<128x4096xi1> to vector<128x4096xi32>
    %convert_element_type3A_105 = arith.sitofp %convert_element_type3A_104 : vector<128x4096xi32> to vector<128x4096xf32>
    %add3A_106 = arith.addf %add3A_100, %convert_element_type3A_105 : vector<128x4096xf32>
    %slice3A_107 = vector.extract_strided_slice %get3A_1 {offsets = [0, 18], sizes = [128, 1], strides = [1, 1]} : vector<128x32xi32> to vector<128x1xi32>
    %eq3A_108 = vector.broadcast %slice3A_107 : vector<128x1xi32> to vector<128x4096xi32>
    %eq3A_109 = arith.cmpi eq, %eq3A_108, %iota3A : vector<128x4096xi32>
    %convert_element_type3A_110 = arith.extui %eq3A_109 : vector<128x4096xi1> to vector<128x4096xi32>
    %convert_element_type3A_111 = arith.sitofp %convert_element_type3A_110 : vector<128x4096xi32> to vector<128x4096xf32>
    %add3A_112 = arith.addf %add3A_106, %convert_element_type3A_111 : vector<128x4096xf32>
    %slice3A_113 = vector.extract_strided_slice %get3A_1 {offsets = [0, 19], sizes = [128, 1], strides = [1, 1]} : vector<128x32xi32> to vector<128x1xi32>
    %eq3A_114 = vector.broadcast %slice3A_113 : vector<128x1xi32> to vector<128x4096xi32>
    %eq3A_115 = arith.cmpi eq, %eq3A_114, %iota3A : vector<128x4096xi32>
    %convert_element_type3A_116 = arith.extui %eq3A_115 : vector<128x4096xi1> to vector<128x4096xi32>
    %convert_element_type3A_117 = arith.sitofp %convert_element_type3A_116 : vector<128x4096xi32> to vector<128x4096xf32>
    %add3A_118 = arith.addf %add3A_112, %convert_element_type3A_117 : vector<128x4096xf32>
    %slice3A_119 = vector.extract_strided_slice %get3A_1 {offsets = [0, 20], sizes = [128, 1], strides = [1, 1]} : vector<128x32xi32> to vector<128x1xi32>
    %eq3A_120 = vector.broadcast %slice3A_119 : vector<128x1xi32> to vector<128x4096xi32>
    %eq3A_121 = arith.cmpi eq, %eq3A_120, %iota3A : vector<128x4096xi32>
    %convert_element_type3A_122 = arith.extui %eq3A_121 : vector<128x4096xi1> to vector<128x4096xi32>
    %convert_element_type3A_123 = arith.sitofp %convert_element_type3A_122 : vector<128x4096xi32> to vector<128x4096xf32>
    %add3A_124 = arith.addf %add3A_118, %convert_element_type3A_123 : vector<128x4096xf32>
    %slice3A_125 = vector.extract_strided_slice %get3A_1 {offsets = [0, 21], sizes = [128, 1], strides = [1, 1]} : vector<128x32xi32> to vector<128x1xi32>
    %eq3A_126 = vector.broadcast %slice3A_125 : vector<128x1xi32> to vector<128x4096xi32>
    %eq3A_127 = arith.cmpi eq, %eq3A_126, %iota3A : vector<128x4096xi32>
    %convert_element_type3A_128 = arith.extui %eq3A_127 : vector<128x4096xi1> to vector<128x4096xi32>
    %convert_element_type3A_129 = arith.sitofp %convert_element_type3A_128 : vector<128x4096xi32> to vector<128x4096xf32>
    %add3A_130 = arith.addf %add3A_124, %convert_element_type3A_129 : vector<128x4096xf32>
    %slice3A_131 = vector.extract_strided_slice %get3A_1 {offsets = [0, 22], sizes = [128, 1], strides = [1, 1]} : vector<128x32xi32> to vector<128x1xi32>
    %eq3A_132 = vector.broadcast %slice3A_131 : vector<128x1xi32> to vector<128x4096xi32>
    %eq3A_133 = arith.cmpi eq, %eq3A_132, %iota3A : vector<128x4096xi32>
    %convert_element_type3A_134 = arith.extui %eq3A_133 : vector<128x4096xi1> to vector<128x4096xi32>
    %convert_element_type3A_135 = arith.sitofp %convert_element_type3A_134 : vector<128x4096xi32> to vector<128x4096xf32>
    %add3A_136 = arith.addf %add3A_130, %convert_element_type3A_135 : vector<128x4096xf32>
    %slice3A_137 = vector.extract_strided_slice %get3A_1 {offsets = [0, 23], sizes = [128, 1], strides = [1, 1]} : vector<128x32xi32> to vector<128x1xi32>
    %eq3A_138 = vector.broadcast %slice3A_137 : vector<128x1xi32> to vector<128x4096xi32>
    %eq3A_139 = arith.cmpi eq, %eq3A_138, %iota3A : vector<128x4096xi32>
    %convert_element_type3A_140 = arith.extui %eq3A_139 : vector<128x4096xi1> to vector<128x4096xi32>
    %convert_element_type3A_141 = arith.sitofp %convert_element_type3A_140 : vector<128x4096xi32> to vector<128x4096xf32>
    %add3A_142 = arith.addf %add3A_136, %convert_element_type3A_141 : vector<128x4096xf32>
    %slice3A_143 = vector.extract_strided_slice %get3A_1 {offsets = [0, 24], sizes = [128, 1], strides = [1, 1]} : vector<128x32xi32> to vector<128x1xi32>
    %eq3A_144 = vector.broadcast %slice3A_143 : vector<128x1xi32> to vector<128x4096xi32>
    %eq3A_145 = arith.cmpi eq, %eq3A_144, %iota3A : vector<128x4096xi32>
    %convert_element_type3A_146 = arith.extui %eq3A_145 : vector<128x4096xi1> to vector<128x4096xi32>
    %convert_element_type3A_147 = arith.sitofp %convert_element_type3A_146 : vector<128x4096xi32> to vector<128x4096xf32>
    %add3A_148 = arith.addf %add3A_142, %convert_element_type3A_147 : vector<128x4096xf32>
    %slice3A_149 = vector.extract_strided_slice %get3A_1 {offsets = [0, 25], sizes = [128, 1], strides = [1, 1]} : vector<128x32xi32> to vector<128x1xi32>
    %eq3A_150 = vector.broadcast %slice3A_149 : vector<128x1xi32> to vector<128x4096xi32>
    %eq3A_151 = arith.cmpi eq, %eq3A_150, %iota3A : vector<128x4096xi32>
    %convert_element_type3A_152 = arith.extui %eq3A_151 : vector<128x4096xi1> to vector<128x4096xi32>
    %convert_element_type3A_153 = arith.sitofp %convert_element_type3A_152 : vector<128x4096xi32> to vector<128x4096xf32>
    %add3A_154 = arith.addf %add3A_148, %convert_element_type3A_153 : vector<128x4096xf32>
    %slice3A_155 = vector.extract_strided_slice %get3A_1 {offsets = [0, 26], sizes = [128, 1], strides = [1, 1]} : vector<128x32xi32> to vector<128x1xi32>
    %eq3A_156 = vector.broadcast %slice3A_155 : vector<128x1xi32> to vector<128x4096xi32>
    %eq3A_157 = arith.cmpi eq, %eq3A_156, %iota3A : vector<128x4096xi32>
    %convert_element_type3A_158 = arith.extui %eq3A_157 : vector<128x4096xi1> to vector<128x4096xi32>
    %convert_element_type3A_159 = arith.sitofp %convert_element_type3A_158 : vector<128x4096xi32> to vector<128x4096xf32>
    %add3A_160 = arith.addf %add3A_154, %convert_element_type3A_159 : vector<128x4096xf32>
    %slice3A_161 = vector.extract_strided_slice %get3A_1 {offsets = [0, 27], sizes = [128, 1], strides = [1, 1]} : vector<128x32xi32> to vector<128x1xi32>
    %eq3A_162 = vector.broadcast %slice3A_161 : vector<128x1xi32> to vector<128x4096xi32>
    %eq3A_163 = arith.cmpi eq, %eq3A_162, %iota3A : vector<128x4096xi32>
    %convert_element_type3A_164 = arith.extui %eq3A_163 : vector<128x4096xi1> to vector<128x4096xi32>
    %convert_element_type3A_165 = arith.sitofp %convert_element_type3A_164 : vector<128x4096xi32> to vector<128x4096xf32>
    %add3A_166 = arith.addf %add3A_160, %convert_element_type3A_165 : vector<128x4096xf32>
    %slice3A_167 = vector.extract_strided_slice %get3A_1 {offsets = [0, 28], sizes = [128, 1], strides = [1, 1]} : vector<128x32xi32> to vector<128x1xi32>
    %eq3A_168 = vector.broadcast %slice3A_167 : vector<128x1xi32> to vector<128x4096xi32>
    %eq3A_169 = arith.cmpi eq, %eq3A_168, %iota3A : vector<128x4096xi32>
    %convert_element_type3A_170 = arith.extui %eq3A_169 : vector<128x4096xi1> to vector<128x4096xi32>
    %convert_element_type3A_171 = arith.sitofp %convert_element_type3A_170 : vector<128x4096xi32> to vector<128x4096xf32>
    %add3A_172 = arith.addf %add3A_166, %convert_element_type3A_171 : vector<128x4096xf32>
    %slice3A_173 = vector.extract_strided_slice %get3A_1 {offsets = [0, 29], sizes = [128, 1], strides = [1, 1]} : vector<128x32xi32> to vector<128x1xi32>
    %eq3A_174 = vector.broadcast %slice3A_173 : vector<128x1xi32> to vector<128x4096xi32>
    %eq3A_175 = arith.cmpi eq, %eq3A_174, %iota3A : vector<128x4096xi32>
    %convert_element_type3A_176 = arith.extui %eq3A_175 : vector<128x4096xi1> to vector<128x4096xi32>
    %convert_element_type3A_177 = arith.sitofp %convert_element_type3A_176 : vector<128x4096xi32> to vector<128x4096xf32>
    %add3A_178 = arith.addf %add3A_172, %convert_element_type3A_177 : vector<128x4096xf32>
    %slice3A_179 = vector.extract_strided_slice %get3A_1 {offsets = [0, 30], sizes = [128, 1], strides = [1, 1]} : vector<128x32xi32> to vector<128x1xi32>
    %eq3A_180 = vector.broadcast %slice3A_179 : vector<128x1xi32> to vector<128x4096xi32>
    %eq3A_181 = arith.cmpi eq, %eq3A_180, %iota3A : vector<128x4096xi32>
    %convert_element_type3A_182 = arith.extui %eq3A_181 : vector<128x4096xi1> to vector<128x4096xi32>
    %convert_element_type3A_183 = arith.sitofp %convert_element_type3A_182 : vector<128x4096xi32> to vector<128x4096xf32>
    %add3A_184 = arith.addf %add3A_178, %convert_element_type3A_183 : vector<128x4096xf32>
    %slice3A_185 = vector.extract_strided_slice %get3A_1 {offsets = [0, 31], sizes = [128, 1], strides = [1, 1]} : vector<128x32xi32> to vector<128x1xi32>
    %eq3A_186 = vector.broadcast %slice3A_185 : vector<128x1xi32> to vector<128x4096xi32>
    %eq3A_187 = arith.cmpi eq, %eq3A_186, %iota3A : vector<128x4096xi32>
    %convert_element_type3A_188 = arith.extui %eq3A_187 : vector<128x4096xi1> to vector<128x4096xi32>
    %convert_element_type3A_189 = arith.sitofp %convert_element_type3A_188 : vector<128x4096xi32> to vector<128x4096xf32>
    %add3A_190 = arith.addf %add3A_184, %convert_element_type3A_189 : vector<128x4096xf32>
    %swap3A = arith.constant 0 : index
    %swap3A_191 = arith.constant 0 : index
    %swap3A_192 = vector.load %arg2[%swap3A, %swap3A_191] : memref<128x4096xf32, #tpu.memory_space<vmem>>, vector<128x4096xf32>
    tpu.vector_store %arg2[%swap3A, %swap3A_191], %add3A_190 {strides = array<i32>} : memref<128x4096xf32, #tpu.memory_space<vmem>>, vector<128x4096xf32>,
    return
  }
  func.func @transform_0(%arg0: i32) -> (i32, i32) {
    %c0_i32 = arith.constant 0 : i32
    %c0_i32_0 = arith.constant 0 : i32
    return %arg0, %c0_i32 : i32, i32
  }
  func.func @transform_1(%arg0: i32) -> (i32, i32) {
    %c0_i32 = arith.constant 0 : i32
    %c0_i32_0 = arith.constant 0 : i32
    return %arg0, %c0_i32 : i32, i32
  }
}

module attributes {stable_mosaic.version = 14 : i64} {
  func.func @_diffuse_kernel(%arg0: i32, %arg1: memref<256x4096xf32, #tpu.memory_space<vmem>>, %arg2: memref<4096x256xf32, #tpu.memory_space<vmem>>, %arg3: memref<4096x1xf32, #tpu.memory_space<vmem>>, %arg4: memref<256x1xf32, #tpu.memory_space<vmem>>, %arg5: memref<4096x512xf32, #tpu.memory_space<vmem>>, %arg6: memref<256x512xf32, #tpu.memory_space<vmem>>) attributes {dimension_semantics = [#tpu.dimension_semantics<arbitrary>], iteration_bounds = array<i64: 16>, scalar_prefetch = 0 : i64, scratch_operands = 0 : i64, tpu.core_type = #tpu.core_type<tc>, window_params = [{transform_indices = @transform_0, window_bounds = array<i64: 256, 4096>}, {transform_indices = @transform_1, window_bounds = array<i64: 4096, 256>}, {pipeline_mode = #tpu.pipeline_mode<synchronous>, transform_indices = @transform_2, window_bounds = array<i64: 4096, 1>}, {transform_indices = @transform_3, window_bounds = array<i64: 256, 1>}, {pipeline_mode = #tpu.pipeline_mode<synchronous>, transform_indices = @transform_4, window_bounds = array<i64: 4096, 512>}, {transform_indices = @transform_5, window_bounds = array<i64: 256, 512>}]} {
    %get3A = arith.constant 0 : index
    %get3A_0 = arith.constant 0 : index
    %get3A_1 = vector.load %arg3[%get3A, %get3A_0] : memref<4096x1xf32, #tpu.memory_space<vmem>>, vector<4096x1xf32>
    %get3A_2 = arith.constant 0 : index
    %get3A_3 = arith.constant 0 : index
    %get3A_4 = vector.load %arg5[%get3A_2, %get3A_3] : memref<4096x512xf32, #tpu.memory_space<vmem>>, vector<4096x512xf32>
    %mul3A = vector.broadcast %get3A_1 : vector<4096x1xf32> to vector<4096x512xf32>
    %mul3A_5 = arith.mulf %mul3A, %get3A_4 : vector<4096x512xf32>
    %get3A_6 = arith.constant 0 : index
    %get3A_7 = arith.constant 0 : index
    %get3A_8 = vector.load %arg1[%get3A_6, %get3A_7] : memref<256x4096xf32, #tpu.memory_space<vmem>>, vector<256x4096xf32>
    %dot_general3A = arith.constant dense<0.000000e+00> : vector<256x512xf32>
    %dot_general3A_9 = tpu.matmul %get3A_8, %mul3A_5, %dot_general3A {dimension_numbers = #tpu.dot_dimension_numbers<[1], [0], [0], [1], [0, 0, 1, 1], [], []>, transpose_lhs_hint = false} : vector<256x4096xf32>, vector<4096x512xf32>, vector<256x512xf32> -> vector<256x512xf32>
    %get3A_10 = arith.constant 0 : index
    %get3A_11 = arith.constant 0 : index
    %get3A_12 = vector.load %arg2[%get3A_10, %get3A_11] : memref<4096x256xf32, #tpu.memory_space<vmem>>, vector<4096x256xf32>
    %dot_general3A_13 = arith.constant dense<0.000000e+00> : vector<256x512xf32>
    %dot_general3A_14 = tpu.matmul %get3A_12, %mul3A_5, %dot_general3A_13 {dimension_numbers = #tpu.dot_dimension_numbers<[0], [0], [1], [1], [0, 1, 1, 1], [], []>, transpose_lhs_hint = false} : vector<4096x256xf32>, vector<4096x512xf32>, vector<256x512xf32> -> vector<256x512xf32>
    %add3A = arith.addf %dot_general3A_9, %dot_general3A_14 : vector<256x512xf32>
    %get3A_15 = arith.constant 0 : index
    %get3A_16 = arith.constant 0 : index
    %get3A_17 = vector.load %arg4[%get3A_15, %get3A_16] : memref<256x1xf32, #tpu.memory_space<vmem>>, vector<256x1xf32>
    %mul3A_18 = vector.broadcast %get3A_17 : vector<256x1xf32> to vector<256x512xf32>
    %mul3A_19 = arith.mulf %mul3A_18, %add3A : vector<256x512xf32>
    %swap3A = arith.constant 0 : index
    %swap3A_20 = arith.constant 0 : index
    %swap3A_21 = vector.load %arg6[%swap3A, %swap3A_20] : memref<256x512xf32, #tpu.memory_space<vmem>>, vector<256x512xf32>
    tpu.vector_store %arg6[%swap3A, %swap3A_20], %mul3A_19 {strides = array<i32>} : memref<256x512xf32, #tpu.memory_space<vmem>>, vector<256x512xf32>,
    return
  }
  func.func @transform_0(%arg0: i32) -> (i32, i32) {
    %c0_i32 = arith.constant 0 : i32
    %c0_i32_0 = arith.constant 0 : i32
    return %arg0, %c0_i32 : i32, i32
  }
  func.func @transform_1(%arg0: i32) -> (i32, i32) {
    %c0_i32 = arith.constant 0 : i32
    %c0_i32_0 = arith.constant 0 : i32
    return %c0_i32, %arg0 : i32, i32
  }
  func.func @transform_2(%arg0: i32) -> (i32, i32) {
    %c0_i32 = arith.constant 0 : i32
    %c0_i32_0 = arith.constant 0 : i32
    %c0_i32_1 = arith.constant 0 : i32
    return %c0_i32, %c0_i32_0 : i32, i32
  }
  func.func @transform_3(%arg0: i32) -> (i32, i32) {
    %c0_i32 = arith.constant 0 : i32
    %c0_i32_0 = arith.constant 0 : i32
    return %arg0, %c0_i32 : i32, i32
  }
  func.func @transform_4(%arg0: i32) -> (i32, i32) {
    %c0_i32 = arith.constant 0 : i32
    %c0_i32_0 = arith.constant 0 : i32
    %c0_i32_1 = arith.constant 0 : i32
    return %c0_i32, %c0_i32_0 : i32, i32
  }
  func.func @transform_5(%arg0: i32) -> (i32, i32) {
    %c0_i32 = arith.constant 0 : i32
    %c0_i32_0 = arith.constant 0 : i32
    return %arg0, %c0_i32 : i32, i32
  }
}

module attributes {stable_mosaic.version = 14 : i64} {
  func.func @_ymat_kernel(%arg0: i32, %arg1: memref<256x512xf32, #tpu.memory_space<vmem>>, %arg2: memref<256x512xf32, #tpu.memory_space<vmem>>, %arg3: memref<256x512xf32, #tpu.memory_space<vmem>>) attributes {dimension_semantics = [#tpu.dimension_semantics<arbitrary>], iteration_bounds = array<i64: 16>, scalar_prefetch = 0 : i64, scratch_operands = 0 : i64, tpu.core_type = #tpu.core_type<tc>, window_params = [{transform_indices = @transform_0, window_bounds = array<i64: 256, 512>}, {transform_indices = @transform_1, window_bounds = array<i64: 256, 512>}, {transform_indices = @transform_2, window_bounds = array<i64: 256, 512>}]} {
    %get3A = arith.constant 0 : index
    %get3A_0 = arith.constant 0 : index
    %get3A_1 = vector.load %arg2[%get3A, %get3A_0] : memref<256x512xf32, #tpu.memory_space<vmem>>, vector<256x512xf32>
    %mul3A = arith.mulf %get3A_1, %get3A_1 : vector<256x512xf32>
    %reduce_sum3A = arith.constant dense<0.000000e+00> : vector<256xf32>
    %reduce_sum3A_2 = vector.multi_reduction <add>, %mul3A, %reduce_sum3A [1] : vector<256x512xf32> to vector<256xf32>
    %broadcast_in_dim3A = vector.shape_cast %reduce_sum3A_2 : vector<256xf32> to vector<256x1xf32>
    %sqrt3A = math.sqrt %broadcast_in_dim3A : vector<256x1xf32>
    %get3A_3 = arith.constant 0 : index
    %get3A_4 = arith.constant 0 : index
    %get3A_5 = vector.load %arg1[%get3A_3, %get3A_4] : memref<256x512xf32, #tpu.memory_space<vmem>>, vector<256x512xf32>
    %mul3A_6 = arith.constant 1.000000e-01 : f32
    %mul3A_7 = vector.broadcast %mul3A_6 : f32 to vector<256x512xf32>
    %mul3A_8 = arith.mulf %mul3A_7, %get3A_1 : vector<256x512xf32>
    %max3A = arith.constant 9.99999993E-9 : f32
    %max3A_9 = vector.broadcast %max3A : f32 to vector<256x1xf32>
    %max3A_10 = arith.maximumf %sqrt3A, %max3A_9 : vector<256x1xf32>
    %div3A = vector.broadcast %max3A_10 : vector<256x1xf32> to vector<256x512xf32>
    %div3A_11 = arith.divf %mul3A_8, %div3A : vector<256x512xf32>
    %add3A = arith.addf %get3A_5, %div3A_11 : vector<256x512xf32>
    %swap3A = arith.constant 0 : index
    %swap3A_12 = arith.constant 0 : index
    %swap3A_13 = vector.load %arg3[%swap3A, %swap3A_12] : memref<256x512xf32, #tpu.memory_space<vmem>>, vector<256x512xf32>
    tpu.vector_store %arg3[%swap3A, %swap3A_12], %add3A {strides = array<i32>} : memref<256x512xf32, #tpu.memory_space<vmem>>, vector<256x512xf32>,
    return
  }
  func.func @transform_0(%arg0: i32) -> (i32, i32) {
    %c0_i32 = arith.constant 0 : i32
    %c0_i32_0 = arith.constant 0 : i32
    return %arg0, %c0_i32 : i32, i32
  }
  func.func @transform_1(%arg0: i32) -> (i32, i32) {
    %c0_i32 = arith.constant 0 : i32
    %c0_i32_0 = arith.constant 0 : i32
    return %arg0, %c0_i32 : i32, i32
  }
  func.func @transform_2(%arg0: i32) -> (i32, i32) {
    %c0_i32 = arith.constant 0 : i32
    %c0_i32_0 = arith.constant 0 : i32
    return %arg0, %c0_i32 : i32, i32
  }
}

module attributes {stable_mosaic.version = 14 : i64} {
  func.func @_attn_kernel(%arg0: i32, %arg1: memref<256x512xf32, #tpu.memory_space<vmem>>, %arg2: memref<4096x512xf32, #tpu.memory_space<vmem>>, %arg3: memref<4096x512xf32, #tpu.memory_space<vmem>>, %arg4: memref<256x512xf32, #tpu.memory_space<vmem>>) attributes {dimension_semantics = [#tpu.dimension_semantics<arbitrary>], iteration_bounds = array<i64: 16>, scalar_prefetch = 0 : i64, scratch_operands = 0 : i64, tpu.core_type = #tpu.core_type<tc>, window_params = [{transform_indices = @transform_0, window_bounds = array<i64: 256, 512>}, {pipeline_mode = #tpu.pipeline_mode<synchronous>, transform_indices = @transform_1, window_bounds = array<i64: 4096, 512>}, {pipeline_mode = #tpu.pipeline_mode<synchronous>, transform_indices = @transform_2, window_bounds = array<i64: 4096, 512>}, {transform_indices = @transform_3, window_bounds = array<i64: 256, 512>}]} {
    %get3A = arith.constant 0 : index
    %get3A_0 = arith.constant 0 : index
    %get3A_1 = vector.load %arg1[%get3A, %get3A_0] : memref<256x512xf32, #tpu.memory_space<vmem>>, vector<256x512xf32>
    %get3A_2 = arith.constant 0 : index
    %get3A_3 = arith.constant 0 : index
    %get3A_4 = vector.load %arg2[%get3A_2, %get3A_3] : memref<4096x512xf32, #tpu.memory_space<vmem>>, vector<4096x512xf32>
    %dot_general3A = arith.constant dense<0.000000e+00> : vector<256x4096xf32>
    %dot_general3A_5 = tpu.matmul %get3A_1, %get3A_4, %dot_general3A {dimension_numbers = #tpu.dot_dimension_numbers<[1], [1], [0], [0], [0, 0, 1, 0], [], []>, transpose_lhs_hint = false} : vector<256x512xf32>, vector<4096x512xf32>, vector<256x4096xf32> -> vector<256x4096xf32>
    %mul3A = arith.constant 1.000000e+01 : f32
    %mul3A_6 = vector.broadcast %mul3A : f32 to vector<256x4096xf32>
    %mul3A_7 = arith.mulf %dot_general3A_5, %mul3A_6 : vector<256x4096xf32>
    %reduce_max3A = arith.constant dense<0xFF800000> : vector<256xf32>
    %reduce_max3A_8 = vector.multi_reduction <maximumf>, %mul3A_7, %reduce_max3A [1] : vector<256x4096xf32> to vector<256xf32>
    %broadcast_in_dim3A = vector.shape_cast %reduce_max3A_8 : vector<256xf32> to vector<256x1xf32>
    %sub3A = vector.broadcast %broadcast_in_dim3A : vector<256x1xf32> to vector<256x4096xf32>
    %sub3A_9 = arith.subf %mul3A_7, %sub3A : vector<256x4096xf32>
    %exp3A = math.exp %sub3A_9 : vector<256x4096xf32>
    %reduce_sum3A = arith.constant dense<0.000000e+00> : vector<256xf32>
    %reduce_sum3A_10 = vector.multi_reduction <add>, %exp3A, %reduce_sum3A [1] : vector<256x4096xf32> to vector<256xf32>
    %broadcast_in_dim3A_11 = vector.shape_cast %reduce_sum3A_10 : vector<256xf32> to vector<256x1xf32>
    %get3A_12 = arith.constant 0 : index
    %get3A_13 = arith.constant 0 : index
    %get3A_14 = vector.load %arg3[%get3A_12, %get3A_13] : memref<4096x512xf32, #tpu.memory_space<vmem>>, vector<4096x512xf32>
    %dot_general3A_15 = arith.constant dense<0.000000e+00> : vector<256x512xf32>
    %dot_general3A_16 = tpu.matmul %exp3A, %get3A_14, %dot_general3A_15 {dimension_numbers = #tpu.dot_dimension_numbers<[1], [0], [0], [1], [0, 0, 1, 1], [], []>, transpose_lhs_hint = false} : vector<256x4096xf32>, vector<4096x512xf32>, vector<256x512xf32> -> vector<256x512xf32>
    %div3A = vector.broadcast %broadcast_in_dim3A_11 : vector<256x1xf32> to vector<256x512xf32>
    %div3A_17 = arith.divf %dot_general3A_16, %div3A : vector<256x512xf32>
    %swap3A = arith.constant 0 : index
    %swap3A_18 = arith.constant 0 : index
    %swap3A_19 = vector.load %arg4[%swap3A, %swap3A_18] : memref<256x512xf32, #tpu.memory_space<vmem>>, vector<256x512xf32>
    tpu.vector_store %arg4[%swap3A, %swap3A_18], %div3A_17 {strides = array<i32>} : memref<256x512xf32, #tpu.memory_space<vmem>>, vector<256x512xf32>,
    return
  }
  func.func @transform_0(%arg0: i32) -> (i32, i32) {
    %c0_i32 = arith.constant 0 : i32
    %c0_i32_0 = arith.constant 0 : i32
    return %arg0, %c0_i32 : i32, i32
  }
  func.func @transform_1(%arg0: i32) -> (i32, i32) {
    %c0_i32 = arith.constant 0 : i32
    %c0_i32_0 = arith.constant 0 : i32
    %c0_i32_1 = arith.constant 0 : i32
    return %c0_i32, %c0_i32_0 : i32, i32
  }
  func.func @transform_2(%arg0: i32) -> (i32, i32) {
    %c0_i32 = arith.constant 0 : i32
    %c0_i32_0 = arith.constant 0 : i32
    %c0_i32_1 = arith.constant 0 : i32
    return %c0_i32, %c0_i32_0 : i32, i32
  }
  func.func @transform_3(%arg0: i32) -> (i32, i32) {
    %c0_i32 = arith.constant 0 : i32
    %c0_i32_0 = arith.constant 0 : i32
    return %arg0, %c0_i32 : i32, i32
  }
}

</mosaic_0001>

<sc_bundles>
// kernel: scatter_offload_async_start
scs
__scs_entry_jumppad:
0x0: {  	(pc) =	sbr.rel $0x88, $3  }
0x1: {  	(tag) =	ssettag $0x0;
	lr =	simm.s32 $0x1  }
0x2: {  	[smem:$0x3FA0] =	sst lr;
	_ =	strace $0xD0000000  }
0x3: {  	_ = 	snop  }
0x4: {  	_ = 	snop  }
0x5: {  	_ = 	snop  }
0x6: {  	_ = 	snop  }
0x7: {  	_ = 	snop  }
__scs_overlays_trampoline_lowered:
0x8: {  	[smem:$0x3FAF] =	sst s0  }
0x9: {  	[smem:$0x3FB0] =	sst s1  }
0xa: {  	[smem:$0x3FB1] =	sst s2  }
0xb: {  	[smem:$0x3FB2] =	sst s3  }
0xc: {  	[smem:$0x3FB3] =	sst s4  }
0xd: {  	[smem:$0x3FB4] =	sst s5  }
0xe: {  	[smem:$0x3FB5] =	sst s6  }
0xf: {  	[smem:$0x3FB6] =	sst s7  }
0x10: {  	[smem:$0x3FB7] =	sst s8  }
0x11: {  	[smem:$0x3FB8] =	sst s9;
	s0 =	simm.s32 @!p0 $0x0  }
0x12: {  	s1 =	sld [smem:$0x3F9E];
	s0 =	simm.s32 @p0 $0x1  }
0x13: {  	[smem:$0x3FB9] =	sst s0;
	s0 =	simm.s32 @!p1 $0x0  }
0x14: {  	s2 =	sld [smem:$0x3F9D];
	s0 =	simm.s32 @p1 $0x1  }
0x15: {  	[smem:$0x3FBA] =	sst s0;
	s0 =	simm.s32 @!p2 $0x0  }
0x16: {  	s3 =	sld [smem:$0x3FDB];
	s0 =	simm.s32 @p2 $0x1  }
0x17: {  	s4 =	simm.s32 $0x1BF5;
	[smem:$0x3FBC] =	sst s0  }
0x18: {  	s0 =	sld [smem:$0x3F9F];
	_ =	swait.ge [sflag:s4], $0x0  }
0x19: {  	s7 =	sld [smem:$0x3FA0]  }
0x1a: {  	s8 =	sadd.s32 $0xFFFFE003, lr  }
0x1b: {  	s9 =	sadd.s32 $0xFFFFFEF7, lr;
	s5 =	simm.s32 $0xFFFFFFFF;
	p2 =	slt.u32 s8, $0xFFFFF086  }
0x1c: {  	p1 =	slt.u32 s9, $0xF7A;
	s5 =	simm.s32 @!p2 $0x0  }
0x1d: {  	s5 =	simm.s32 @p1 $0x1;
	p0 =	seq.s32 s7, s2  }
0x1e: {  	s7 =	smul.u32 @!p0 $0xF7A, s2;
	p2 =	seq.s32 @!p0 s5, $0x0  }
0x1f: {  	s9 =	smul.u32 $0xF7A, s1;
	s8 =	simm.s32 @!p0 $0x1BF5;
	p2 =	por !p2, p0  }
0x20: {  	[sflag:s8] =	ssyncset.s32 @!p0 $0xFFFFF086;
	s6 =	sadd.s32 @!p0 s3, s7;
	s7 =	simm.s32 @!p0 $0x108  }
0x21: {  	s3 =	sadd.s32 s3, s9;
	s6 =	sadd.s32 @!p0 $0x88, s6;
	s7 =	simm.s32 @p2 $0x1082  }
0x22: {  	[simem:s7], [sflag:s8] =	dma.local @!p0 [hbm:s6], $0xF7A  }
0x23: {  	s9 =	sor.u32 $0xD0000000, s2;
	s6 =	simm.s32 $0x108;
	_ =	swait.ge @!p0 [sflag:s8], $0x0  }
0x24: {  	s3 =	sadd.s32 $0x88, s3;
	s6 =	simm.s32 @!p1 $0x1082;
	[sflag:s4] =	ssyncset.s32 $0xFFFFF086  }
0x25: {  	[simem:s6], [sflag:s4] =	dma.local [hbm:s3], $0xF7A  }
0x26: {  	[smem:$0x3FA0] =	sst s1;
	(tag) =	ssettag s2;
	_ =	strace s9  }
0x27: {  	s1 =	sld [smem:$0x3FB0]  }
0x28: {  	s2 =	sld [smem:$0x3FB1]  }
0x29: {  	s4 =	sld [smem:$0x3FB3]  }
0x2a: {  	p0 =	seq.s32 s5, $0x0;
	s5 =	sld [smem:$0x3FB4]  }
0x2b: {  	s6 =	sld [smem:$0x3FB5]  }
0x2c: {  	s7 =	sld [smem:$0x3FB6]  }
0x2d: {  	s3 =	simm.s32 $0x108;
	s8 =	sld [smem:$0x3FB7]  }
0x2e: {  	s3 =	simm.s32 @!p0 $0x1082;
	s9 =	sld [smem:$0x3FB8]  }
0x2f: {  	lr =	sadd.s32 s0, s3;
	s0 =	sld [smem:$0x3FAF]  }
0x30: {  	s3 =	sld [smem:$0x3FB2]  }
0x31: {  	[smem:$0x3FBB] =	sst s10  }
0x32: {  	s10 =	sld [smem:$0x3FB9];
	_ =	sdelay $0x3  }
0x33: {  	p0 =	seq.s32 s10, $0x1;
	s10 =	sld [smem:$0x3FBB];
	_ =	sdelay $0x3  }
0x34: {  	[smem:$0x3FBB] =	sst s10  }
0x35: {  	s10 =	sld [smem:$0x3FBA];
	_ =	sdelay $0x3  }
0x36: {  	p1 =	seq.s32 s10, $0x1;
	s10 =	sld [smem:$0x3FBB];
	_ =	sdelay $0x3  }
0x37: {  	[smem:$0x3FBB] =	sst s10  }
0x38: {  	s10 =	sld [smem:$0x3FBC]  }
0x39: {  	_ = 	snop;
	(pc) =	sbr.ind lr, $3  }
0x3a: {  	_ = 	snop  }
0x3b: {  	_ = 	snop  }
0x3c: {  	p2 =	seq.s32 s10, $0x1;
	s10 =	sld [smem:$0x3FBB]  }
0x3d: {  	_ =	shalt  }
0x3e: {  	_ =	shalt  }
0x3f: {  	_ =	shalt  }
0x40: {  	_ =	shalt  }
0x41: {  	_ =	shalt  }
0x42: {  	_ =	shalt  }
0x43: {  	_ =	shalt  }
0x44: {  	_ =	shalt  }
0x45: {  	_ =	shalt  }
0x46: {  	_ =	shalt  }
0x47: {  	_ =	shalt  }
0x48: {  	_ =	shalt  }
0x49: {  	_ =	shalt  }
0x4a: {  	_ =	shalt  }
0x4b: {  	_ =	shalt  }
0x4c: {  	_ =	shalt  }
0x4d: {  	_ =	shalt  }
0x4e: {  	_ =	shalt  }
0x4f: {  	_ =	shalt  }
0x50: {  	_ =	shalt  }
0x51: {  	_ =	shalt  }
0x52: {  	_ =	shalt  }
0x53: {  	_ =	shalt  }
0x54: {  	_ =	shalt  }
0x55: {  	_ =	shalt  }
0x56: {  	_ =	shalt  }
0x57: {  	_ =	shalt  }
0x58: {  	_ =	shalt  }
0x59: {  	_ =	shalt  }
0x5a: {  	_ =	shalt  }
0x5b: {  	_ =	shalt  }
0x5c: {  	_ =	shalt  }
0x5d: {  	_ =	shalt  }
0x5e: {  	_ =	shalt  }
0x5f: {  	_ =	shalt  }
0x60: {  	_ =	shalt  }
0x61: {  	_ =	shalt  }
0x62: {  	_ =	shalt  }
0x63: {  	_ =	shalt  }
0x64: {  	_ =	shalt  }
0x65: {  	_ =	shalt  }
0x66: {  	_ =	shalt  }
0x67: {  	_ =	shalt  }
0x68: {  	_ =	shalt  }
0x69: {  	_ =	shalt  }
0x6a: {  	_ =	shalt  }
0x6b: {  	_ =	shalt  }
0x6c: {  	_ =	shalt  }
0x6d: {  	_ =	shalt  }
0x6e: {  	_ =	shalt  }
0x6f: {  	_ =	shalt  }
0x70: {  	_ =	shalt  }
0x71: {  	_ =	shalt  }
0x72: {  	_ =	shalt  }
0x73: {  	_ =	shalt  }
0x74: {  	_ =	shalt  }
0x75: {  	_ =	shalt  }
0x76: {  	_ =	shalt  }
0x77: {  	_ =	shalt  }
0x78: {  	_ =	shalt  }
0x79: {  	_ =	shalt  }
0x7a: {  	_ =	shalt  }
0x7b: {  	_ =	shalt  }
0x7c: {  	_ =	shalt  }
0x7d: {  	_ =	shalt  }
0x7e: {  	_ =	shalt  }
0x7f: {  	_ =	shalt  }
0x80: {  	_ =	shalt  }
0x81: {  	_ =	shalt  }
0x82: {  	_ =	shalt  }
0x83: {  	_ =	shalt  }
0x84: {  	_ =	shalt  }
0x85: {  	_ =	shalt  }
0x86: {  	_ =	shalt  }
0x87: {  	_ =	shalt  }
.Lfunc_end0:
.L_simem_size_0:
called_computation_lowered:
.L_overlay_start_0:
0x88: {  	s0 =	sld [smem:$0x3FD9]  }
0x89: {  	s1 =	sld [smem:$0x3FFE];
	_ =	sdelay $0x3  }
0x8a: {  	s0 =	sadd.s32 s1, s0  }
0x8b: {  	[smem:$0x3FC7] =	sst s0  }
0x8c: {  	_ = 	snop  }
0x8d: {  	(tm) =	ssettm $0x1  }
0x8e: {  	s15 =	sld [smem:$0x3FFB];
	_ =	sdelay $0x3  }
0x8f: {  	_ =	strace s15  }
0x90: {  	s0 =	sld [smem:$0x3FFC];
	_ =	sdelay $0x3  }
0x91: {  	_ =	strace s0  }
0x92: {  	s0 =	sld [smem:$0x3FFD];
	_ =	sdelay $0x3  }
0x93: {  	_ =	strace s0  }
0x94: {  	_ =	strace $0x8FFFFFFF  }
0x95: {  	s16 =	sld [smem:$0x3FDB];
	_ =	sdelay $0x1  }
0x96: {  	s17 =	simm.s32 $_scs_section_size  }
0x97: {  	s2 =	simm.s32 $_size__tile_overlayer_lowered;
	s3 =	simm.s32 $_tile_overlayer_lowered  }
0x98: {  	s20 =	simm.s32 $0x1BFF;
	s19 =	sshll.u32 s3, $0x1;
	s0 =	sadd.s32 s17, s16  }
0x99: {  	s4 =	simm.s32 $0x0;
	s18 =	sshll.u32 s2, $0x1;
	s2 =	sadd.s32 s19, s0  }
0x9a: {  	[timem:s4], [sflag:s20] =	dma.local [hbm:s2], s18  }
0x9b: {  	_ =	swait.ge [sflag:s20], s18  }
0x9c: {  	s1 =	ssub.s32 $0x0, s18;
	[sflag:s20] =	ssyncset.done $0x0  }
0x9d: {  	[sflag:s20] =	ssyncadd.s32 s1;
	_ =	sdelay $0x1  }
0x9e: {  	s21 =	simm.s32 $0x1B8B  }
0x9f: {  	_ =	swait.ge [sflag:s21], $0x1  }
0xa0: {  	[sflag:s21] =	ssyncset.done $0x0  }
0xa1: {  	s23 =	simm.s32 $0x1B8E;
	s22 =	sld [smem:$0x3FFE];
	[sflag:s21] =	ssyncadd.s32 $0xFFFFFFFF  }
0xa2: {  	s24 =	simm.s32 $execute0_lowered;
	[smem:$0x3FD2] =	sst s23  }
0xa3: {  	s2 =	sshll.u32 s24, $0x1;
	_ =	strace $0x80000046;
	[dreg:$0x1] =	wrdreg $0xFFFFFFFF  }
0xa4: {  	s25 =	simm.s32 $_size_execute0_lowered;
	s0 =	sadd.s32 s0, s2;
	[dreg:$0x0] =	wrdreg $0x0  }
0xa5: {  	s2 =	sshll.u32 s25, $0x1;
	[dreg:$0x2] =	wrdreg s0  }
0xa6: {  	[dreg:$0x3] =	wrdreg s2  }
0xa7: {  	[dreg:$0x4] =	wrdreg $0xC0  }
0xa8: {  	_ =	task [dreg:s4], $0x5FFFF  }
0xa9: {  	[dreg:$0x1] =	wrdreg $0xFFFFFFFF  }
0xaa: {  	[dreg:$0x0] =	wrdreg $0x60  }
0xab: {  	[dreg:$0x2] =	wrdreg s22  }
0xac: {  	[dreg:$0x3] =	wrdreg $0x9  }
0xad: {  	_ =	task.clear_ibuf [dreg:s4], $0x4FFFF;
	_ =	strace $0x90000046  }
0xae: {  	s26 =	simm.s32 $0x9;
	_ =	strace $0x80000048  }
0xaf: {  	_ =	swait.ge [sflag:s26], $0x1  }
0xb0: {  	[sflag:s26] =	ssyncadd.s32 $0xFFFFFFFF  }
0xb1: {  	_ =	strace $0x90000048  }
0xb2: {  	_ =	sfence  }
0xb3: {  	s28 =	sld [smem:$0x0];
	_ =	sdelay $0x1  }
0xb4: {  	s29 =	srdreg.scid  }
0xb5: {  	s30 =	sshll.u32 s29, $0xD;
	s31 =	sshrl.u32 s29, $0x2  }
0xb6: {  	s1 =	sand.u32 $0x1, s29;
	s2 =	sand.u32 $0x4000, s30;
	s0 =	sadd.s32 s31, s28  }
0xb7: {  	s1 =	sor.u32 s2, s1;
	s0 =	sshll.u32 s0, $0x11  }
0xb8: {  	s0 =	sor.u32 s0, s1  }
0xb9: {  	s0 =	sadd.s32 $0x8F2B, s0  }
0xba: {  	[sflag:s0] =	ssyncadd.remote.s32 $0x1  }
0xbb: {  	_ =	sfence.sel $0xFFFF  }
0xbc: {  	[dreg:$0x0] =	wrdreg $0xFFFFFFFF;
	(pc) =	sbr.abs _section_cstart, $3  }
0xbd: {  	[dreg:$0x1] =	wrdreg $0xFFFFFFFF  }
0xbe: {  	_ =	task.clear_ibuf [dreg:s4], $0x2FFFF;
	_ =	strace $0x9FFFFFFF  }
0xbf: {  	(tm) =	ssettm $0x7FFFFFFF  }
tec
execute0_lowered:
.L_overlay_start_1:
0x0: {  	(tag) =	ssettag $0x1  }
0x1: {  	s0 =	rddreg [dreg:$0x0];
	_ =	strace $0x80000047;
	s3 =	simm.s32 $0x1  }
0x2: {  	v1 =	vimm.s32 $0xFFFFFFFF;
	[sflag:s3] =	ssyncpa.u1 $0x0  }
0x3: {  	[tilespmem:$0x10] =	vst v1  }
0x4: {  	v0 =	vimm.f32 $0.0e+00;
	[tilespmem:$0x20] =	vst v1  }
0x5: {  	[tilespmem:$0x30] =	vst v0  }
0x6: {  	s2 =	simm.s32 $0x2;
	s6 =	simm.s32 $0x7;
	s26 =	stileid.u32;
	[tilespmem:$0x40] =	vst v0  }
0x7: {  	s7 =	simm.s32 $0x8;
	s31 =	simm.s32 $0x9;
	s14 =	simm.s32 $0x0;
	[tilespmem:$0x50] =	vst v0  }
0x8: {  	s15 =	simm.s32 $0x100;
	s18 =	simm.s32 $0x10;
	s19 =	simm.s32 $0x12100;
	[tilespmem:$0x60] =	vst v1  }
0x9: {  	s20 =	simm.s32 $0xF;
	s21 =	simm.s32 $0x50;
	s22 =	simm.s32 $0x80FF;
	[tilespmem:$0x70] =	vst v1  }
0xa: {  	s23 =	simm.s32 $0x20;
	s24 =	simm.s32 $0x30;
	s25 =	simm.s32 $0x100FF;
	[tilespmem:$0x80] =	vst v1  }
0xb: {  	s30 =	simm.s32 $0x0;
	s29 =	simm.s32 $0x0;
	s1 =	sadd.s32 $0x18C00, s0;
	v1 =	vimm.s32 $0x0;
	[tilespmem:$0xB0] =	vst v0  }
.Ltmp0:
0xc: {  	s4 =	sadd.s32 $0x10C00, s0;
	s5 =	sadd.s32 $0x14C00, s0;
	[tilespmem:$0x90] =	vst v1;
	(pc) =	sbr.rel .LBB2_1-.Ltmp0, $4  }
0xd: {  	s8 =	sshll.u32 s26, $0xD;
	s10 =	sshll.u32 s26, $0x1;
	[tilespmem:$0xA0] =	vst v1;
	[sflag:s2] =	ssyncpa.u1 $0x0  }
0xe: {  	s12 =	sshllo.u32 s26, $0x1;
	s26 =	simm.s32 $0x80;
	[sflag:s6] =	ssyncpa.u1 $0x0  }
0xf: {  	vm0 =	vmmov $0xffff;
	v2 =	vlaneseq.u32;
	s9 =	sadd.s32 $0x2000, s8;
	s11 =	sor.u32 $0x81, s10;
	[sflag:s7] =	ssyncpa.u1 $0x0  }
0x10: {  	vm1 =	vmxor vm1, vm1;
	vm2 =	vmmov $0x1;
	vm3 =	vcmask $0x3F3C;
	s13 =	sor.u32 $0x80, s10;
	s28 =	smov.u32 s8;
	[sflag:s31] =	ssyncpa.u1 $0x0  }
.LBB2_3:
0x11: {  	s0 =	sshrl.u32 s28, $0x3  }
0x12: {  	s2 =	sand.u32 $0x7, s28;
	s0 =	sadd.s32 s4, s0  }
0x13: {  	[tilespmem:s15], [sflag:$0x7] =	stream.linear.gather [hbm4b:s0+s2], $0x2000, $0x38;
	[tilespmem:$0x12120] =	vst v63  }
.LBB2_4:
0x14: {  	s0 =	sadd.s32 $0x2000, s28  }
0x15: {  	s2 =	smov.u32 s8;
	s29 =	sadd.s32 $0x1, s29;
	p0 =	slt.s32 s0, s9  }
0x16: {  	s2 =	smov.u32 @p0 s0;
	p0 =	sne.s32 s29, $0x4  }
.Ltmp1:
0x17: {  	_ = 	snop;
	(pc) =	sbr.rel @!p0 .LBB2_13-.Ltmp1, $2  }
0x18: {  	_ =	sdelay $0x2  }
0x19: {  	s30 =	smov.u32 s28;
	s28 =	smov.u32 s2  }
.LBB2_1:
0x1a: {  	p0 =	sgt.s32 s29, $0x1  }
.Ltmp2:
0x1b: {  	_ = 	snop;
	(pc) =	sbr.rel @p0 .LBB2_11-.Ltmp2, $1  }
0x1c: {  	_ =	sdelay $0x3  }
0x1d: {  	p0 =	seq.s32 s29, $0x0  }
.Ltmp3:
0x1e: {  	_ = 	snop;
	(pc) =	sbr.rel @p0 .LBB2_3-.Ltmp3, $1  }
0x1f: {  	_ =	sdelay $0x3  }
0x20: {  	_ =	swait.ge [sflag:s6], $0x2000  }
0x21: {  	[sflag:s6] =	ssyncset.done $0x0  }
0x22: {  	[sflag:s6] =	ssyncadd.s32 $0xFFFFE000;
	(ifvalue) =	ssetifvalue $0xFFFFFFFF;
	v3 =	vld.msk [tilespmem:s15+$0x0 ss:$0x1], $0xffff;
	_ =	sdelay $0x4  }
0x23: {  	v4 =	vperm.xlane v3, v1  }
0x24: {  	vm4 =	vlt.u32 v3, $0x1000  }
0x25: {  	v3 =	vnsel vm4, $0xFFFFFFFE, v3;
	vm4 =	vlt.u32 v4, $0x1000  }
0x26: {  	[tilespmem:$0x70] =	vst v3;
	v3 =	vnsel vm4, $0xFFFFFFFE, v4  }
0x27: {  	s17 =	simm.s32 $0x20F0;
	[tilespmem:$0x80] =	vst v3  }
0x28: {  	v3 =	vld.msk [tilespmem:s17+$0x0 ss:$0x1], $0xffff;
	_ =	sdelay $0x4  }
0x29: {  	(xrf1) =	vunique.msk.u32 $0xffff, v3;
	_ =	sdelay $0xd  }
0x2a: {  	v4 =	vimm.s32 $0xFFFFFFFF;
	v5, _, _ =	vpop (xrf1)  }
0x2b: {  	vm5 =	vne.s32 v3, v4;
	vm4 =	veq.s32 v5, v2  }
0x2c: {  	vm6 =	vlt.u32 v3, $0x1000;
	vm4 =	vmand vm5, vm4  }
0x2d: {  	vm4 =	vmand vm6, vm4  }
0x2e: {  	v4 =	vnsel vm4, $0xFFFFFFFF, v3;
	_ =	sdelay $0x3  }
0x2f: {  	s0 =	simm.s32 $0x80F0;
	(ifvalue) =	ssetifvalue $0xFFFFFFFF  }
0x30: {  	v3 =	vperm.xlane v3, v1;
	[tilespmem:s0], [sflag:$0x8] =	stream.indirect_vreg.gather [hbm4b:s1+s14], $0x1, v4, vm0, $0x4038;
	v4 =	vnsel vm6, $0xFFFFFFFE, v4;
	[tilespmem:$0x12120] =	vst v63  }
0x31: {  	s2 =	simm.s32 $0x0;
	s16 =	simm.s32 $0x20E0;
	[tilespmem:s17+$0x0] =	vst v4  }
.LBB2_6:
0x32: {  	v4 =	vld.msk [tilespmem:s16+$0x0 ss:$0x1], $0xffff;
	s2 =	sadd.s32 $0x10, s2;
	v5 =	vmov v3;
	s17 =	smov.u32 s16  }
0x33: {  	p0 =	slt.u32 s2, $0x1FF0;
	_ =	sdelay $0x4  }
0x34: {  	v3 =	vperm.xlane v4, v1;
	(xrf1) =	vunique.msk.u32 $0xffff, v4;
	_ =	sdelay $0xd  }
0x35: {  	v6, _, _ =	vpop (xrf1)  }
0x36: {  	vm5 =	vne.s32 v4, v5;
	vm4 =	veq.s32 v6, v2  }
0x37: {  	vm6 =	vlt.u32 v4, $0x1000;
	vm4 =	vmand vm5, vm4  }
0x38: {  	vm4 =	vmand vm6, vm4  }
0x39: {  	v4 =	vnsel vm4, $0xFFFFFFFF, v4  }
.Ltmp4:
0x3a: {  	v5 =	vnsel vm6, $0xFFFFFFFE, v4;
	(pc) =	sbr.rel @p0 .LBB2_6-.Ltmp4, $3  }
0x3b: {  	_ =	sdelay $0x1  }
0x3c: {  	s16 =	sadd.s32 $0xFFFFFFF0, s16;
	s0 =	sadd.s32 $0xFFFFFFF0, s0;
	(ifvalue) =	ssetifvalue $0xFFFFFFFF  }
0x3d: {  	[tilespmem:s0], [sflag:$0x8] =	stream.indirect_vreg.gather [hbm4b:s1+s14], $0x1, v4, vm0, $0x4038;
	[tilespmem:s17+$0x0] =	vst v5  }
.Ltmp5:
0x3e: {  	(pc) =	sbr.rel .LBB2_4-.Ltmp5, $4  }
0x3f: {  	_ = 	snop  }
0x40: {  	s0 =	sshrl.u32 s30, $0x3  }
0x41: {  	s2 =	simm.s32 $0xA100;
	s0 =	sadd.s32 s5, s0  }
0x42: {  	[tilespmem:s2], [sflag:$0x8] =	stream.linear.gather [hbm:s0], $0x2000, $0x38;
	[tilespmem:$0x12120] =	vst v63  }
.LBB2_11:
0x43: {  	p0 =	seq.s32 s29, $0x2  }
.Ltmp6:
0x44: {  	_ = 	snop;
	(pc) =	sbr.rel @!p0 .LBB2_12-.Ltmp6, $1  }
0x45: {  	_ =	sdelay $0x3  }
0x46: {  	_ =	swait.ge [sflag:s7], $0x4000  }
0x47: {  	[sflag:s7] =	ssyncset.done $0x0  }
0x48: {  	s0 =	simm.s32 $0x20FF;
	[sflag:s7] =	ssyncadd.s32 $0xFFFFC000  }
0x49: {  	[spmem:s11] =	stream.linear.scatter [tilespmem:s0], [sflag:$0x1], $0x1, $0x38;
	[tilespmem:$0x12120] =	vst v63  }
0x4a: {  	_ =	swait.ge [sflag:s3], $0x1  }
0x4b: {  	[sflag:s3] =	ssyncset.done $0x0  }
0x4c: {  	[sflag:s3] =	ssyncadd.s32 $0xFFFFFFFF  }
0x4d: {  	v4 =	vld [tilespmem:$0x10]  }
0x4e: {  	v5 =	vld [tilespmem:$0x70]  }
0x4f: {  	v3 =	vld [tilespmem:$0x80];
	_ =	sdelay $0x2  }
0x50: {  	(v2sf) =	vpush v4, $0x0  }
0x51: {  	(v2sf) =	vpush v5, $0x0  }
0x52: {  	(v2sf) =	vpush v3, $0x0;
	_ =	sdelay $0xc  }
0x53: {  	s16 =	spop (v2sf)  }
0x54: {  	s2 =	spop (v2sf)  }
0x55: {  	s30 =	spop (v2sf)  }
0x56: {  	p0 =	seq.s32 s16, s2;
	p1 =	seq.s32 s30, s16  }
0x57: {  	p1 =	por p0, p1  }
0x58: {  	v4 =	vpsel p1, $0xFFFFFFFF, v4  }
0x59: {  	[tilespmem:s18+$0x0] =	vst.msk $0x1, v4  }
0x5a: {  	v4 =	vld [tilespmem:$0x30]  }
0x5b: {  	v5 =	vld [tilespmem:$0xA100]  }
0x5c: {  	v6 =	vld [tilespmem:$0x40];
	_ =	sdelay $0x3  }
0x5d: {  	vm4 =	vmmov vm1;
	v5 =	vadd.f32 v5, v4  }
0x5e: {  	vm5 =	vmmov vm2;
	s31 =	simm.s32 $0xA100;
	vm4 =	vmmov @p0 vm2;
	v4 =	vadd.f32 v6, v4  }
0x5f: {  	vm5 =	vmmov @p1 vm1;
	[tilespmem:s31+$0x0] =	vst.msk vm4, v5  }
0x60: {  	[tilespmem:s19+$0x0] =	vst.msk vm5, v4  }
0x61: {  	v4 =	vld [tilespmem:$0x80F0];
	_ =	sdelay $0x3  }
0x62: {  	v5 =	vimm.f32 $0.0e+00  }
0x63: {  	v4 =	vshift.insert v4, v5, s20;
	_ =	sdelay $0x1  }
0x64: {  	[tilespmem:s21+$0x0] =	vst.msk $0x1, v4  }
0x65: {  	[tilespmem:s22+$0x0] =	vst.msk $0x1, v5  }
0x66: {  	v4 =	vld [tilespmem:$0x20F0];
	_ =	sdelay $0x4  }
0x67: {  	v4 =	vshift.insert v4, v1, s20;
	_ =	sdelay $0x1  }
0x68: {  	[tilespmem:s23+$0x0] =	vst.msk $0x1, v4  }
0x69: {  	s17 =	simm.s32 $0x100;
	v6 =	vld [tilespmem:s31+$0x0]  }
0x6a: {  	v7 =	vld [tilespmem:s17+$0x0];
	_ =	sdelay $0x3  }
0x6b: {  	v5 =	vadd.f32 v6, v5  }
0x6c: {  	vm4 =	vne.s32 v7, $0xFFFFFFFF  }
0x6d: {  	(xrf2) =	vadd.seg.scan.f32 vm4, v5;
	_ =	sdelay $0x3  }
0x6e: {  	s0 =	simm.s32 $0x6100;
	v5 =	vperm.xlane v4, v1  }
0x6f: {  	v6 =	vld [tilespmem:s0+$0x0]  }
0x70: {  	vm5 =	veq.s32 v7, v3;
	vm6 =	veq.s32 v7, v5  }
0x71: {  	vm7 =	vgt.u32 v7, $0xFFFFFFFD;
	vm6 =	vmor vm6, vm5  }
0x72: {  	vm6 =	vmor vm6, vm7  }
0x73: {  	v9 =	vld [tilespmem:$0xA0];
	v7 =	vsel vm6, $0xFFFFFFFF, v7  }
0x74: {  	v10 =	vld [tilespmem:$0x90];
	v6 =	vsel vm5, $0x0, v6;
	v8, _, _ =	vpop (xrf2)  }
0x75: {  	v6 =	vadd.f32 v8, v6  }
0x76: {  	s2 =	simm.s32 $0xE100  }
0x77: {  	vm4 =	vmand vm4, vm3;
	[tilespmem:s2+$0x0] =	vst v6;
	(ifvalue) =	ssetifvalue $0xFFFFFFFF  }
0x78: {  	vm6 =	veq.s32 v9, $0x1;
	[hbm4b:s1+s14] =	stream.indirect_vreg.scatter [tilespmem:s2], [sflag:$0x2], $0x1, v7, vm0, $0x4038;
	v7 =	vsel vm4, $0x0, v8;
	[tilespmem:$0x12120] =	vst v63  }
0x79: {  	s16 =	simm.s32 $0x0;
	s17 =	simm.s32 $0x110;
	vm4 =	vmor vm6, vm5;
	v6 =	vsel vm5, v8, v10;
	v7 =	vshift.insert v7, v0, s20  }
.LBB2_9:
0x7a: {  	v8 =	vld [tilespmem:s17+$0x0];
	s31 =	sadd.s32 $0x10, s31  }
0x7b: {  	s0 =	sadd.s32 $0x10, s0;
	v9 =	vld [tilespmem:s31+$0x0]  }
0x7c: {  	s16 =	sadd.s32 $0x10, s16;
	v10 =	vld [tilespmem:s0+$0x0]  }
0x7d: {  	p0 =	slt.u32 s16, $0x1FF0;
	_ =	sdelay $0x2  }
0x7e: {  	v7 =	vadd.f32 v9, v7  }
0x7f: {  	vm5 =	vne.s32 v8, $0xFFFFFFFF  }
0x80: {  	vm6 =	vmand vm5, vm3;
	(xrf2) =	vadd.seg.scan.f32 vm5, v7;
	_ =	sdelay $0x5  }
0x81: {  	vm7 =	veq.s32 v8, v5;
	vm5 =	veq.s32 v8, v3  }
0x82: {  	vm8 =	vgt.u32 v8, $0xFFFFFFFD;
	vm4 =	vmor vm4, vm5;
	vm7 =	vmor vm7, vm5  }
0x83: {  	vm7 =	vmor vm7, vm8  }
0x84: {  	v8 =	vsel vm7, $0xFFFFFFFF, v8  }
.Ltmp7:
0x85: {  	v7 =	vsel vm5, $0x0, v10;
	v9, _, _ =	vpop (xrf2);
	(pc) =	sbr.rel @p0 .LBB2_9-.Ltmp7, $4  }
0x86: {  	v6 =	vsel vm5, v9, v6;
	v10 =	vadd.f32 v9, v7;
	v7 =	vsel vm6, $0x0, v9  }
0x87: {  	s2 =	sadd.s32 $0x10, s2;
	v7 =	vshift.insert v7, v0, s20  }
0x88: {  	s17 =	sadd.s32 $0x10, s17;
	[tilespmem:s2+$0x0] =	vst v10;
	(ifvalue) =	ssetifvalue $0xFFFFFFFF  }
0x89: {  	[hbm4b:s1+s14] =	stream.indirect_vreg.scatter [tilespmem:s2], [sflag:$0x2], $0x1, v8, vm0, $0x4038;
	[tilespmem:$0x12120] =	vst v63  }
0x8a: {  	v3 =	vld [tilespmem:$0x100F0];
	_ =	sdelay $0x4  }
0x8b: {  	v3 =	vshift.insert v3, v0, s20;
	_ =	sdelay $0x1  }
0x8c: {  	[tilespmem:s24+$0x0] =	vst.msk $0x1, v3  }
0x8d: {  	v3 =	vsel vm4, $0x1, v1;
	[tilespmem:$0x90] =	vst v6  }
0x8e: {  	[tilespmem:$0xA0] =	vst v3  }
0x8f: {  	[spmem:s12] =	stream.linear.scatter [tilespmem:s25], [sflag:$0x1], $0x1, $0x38;
	[tilespmem:$0x12120] =	vst v63  }
0x90: {  	v3 =	vmctz.xlane vm4;
	_ =	swait.ge [sflag:s3], $0x1  }
0x91: {  	(v2sf) =	vpush v4, $0x0  }
0x92: {  	(v2sf) =	vpush v3, $0x0;
	_ =	sdelay $0xd  }
0x93: {  	s0 =	spop (v2sf)  }
0x94: {  	s2 =	spop (v2sf)  }
0x95: {  	[sflag:s3] =	ssyncset.done $0x0;
	p0 =	sne.s32 s30, s0;
	p1 =	slt.s32 s2, $0xF  }
0x96: {  	[sflag:s3] =	ssyncadd.s32 $0xFFFFFFFF;
	v3 =	vimm.s32 @!p0 $0xFFFFFFFF;
	s2 =	simm.s32 @!p1 $0xF  }
0x97: {  	[tilespmem:$0x80] =	vst @!p0 v3;
	s31 =	sadd.s32 $0x90, s2  }
0x98: {  	[spmem:s10] =	stream.linear.scatter [tilespmem:s31], [sflag:$0x1], $0x1, $0x38;
	[tilespmem:$0x12120] =	vst v63  }
0x99: {  	_ =	swait.ge [sflag:s3], $0x1  }
0x9a: {  	[sflag:s3] =	ssyncset.done $0x0  }
0x9b: {  	[sflag:s3] =	ssyncadd.s32 $0xFFFFFFFF  }
0x9c: {  	[spmem:s13] =	stream.linear.scatter [tilespmem:s26], [sflag:$0x1], $0x1, $0x38;
	[tilespmem:$0x12120] =	vst v63  }
0x9d: {  	_ =	swait.ge [sflag:s3], $0x1  }
0x9e: {  	[sflag:s3] =	ssyncset.done $0x0  }
0x9f: {  	[sflag:s3] =	ssyncadd.s32 $0xFFFFFFFF;
	(ifvalue) =	ssetifvalue $0xFFFFFFFF;
	v3 =	vld [tilespmem:$0x10];
	_ =	sdelay $0x3  }
.Ltmp8:
0xa0: {  	_ = 	snop;
	(pc) =	sbr.rel .LBB2_4-.Ltmp8, $3  }
0xa1: {  	_ =	sdelay $0x1  }
0xa2: {  	(ifvalue) =	ssetifvalue $0xFFFFFFFF  }
0xa3: {  	[hbm4b:s1+s14] =	stream.indirect_vreg.scatter [tilespmem:s19], [sflag:$0x9], $0x1, v3, vm0, $0x4038;
	[tilespmem:$0x12120] =	vst v63  }
.LBB2_12:
0xa4: {  	s0 =	simm.s32 $0x2  }
0xa5: {  	_ =	swait.ge [sflag:s0], $0x2000  }
0xa6: {  	[sflag:s0] =	ssyncset.done $0x0  }
0xa7: {  	s31 =	simm.s32 $0x9;
	[sflag:s0] =	ssyncadd.s32 $0xFFFFE000  }
0xa8: {  	_ =	swait.ge [sflag:s31], $0x10  }
0xa9: {  	[sflag:s31] =	ssyncset.done $0x0  }
0xaa: {  	[sflag:s31] =	ssyncadd.s32 $0xFFFFFFF0  }
.LBB2_13:
0xab: {  	_ =	sfence.sel $0x180000  }
0xac: {  	s0 =	simm.s32 $0x7;
	[bflag:$0x0] =	sbarrier.arrive $0xFFFF  }
0xad: {  	s26 =	simm.s32 $0x8;
	[sflag:s0] =	ssyncpa.u1 $0x1  }
0xae: {  	s28 =	simm.s32 $0x9;
	[sflag:s26] =	ssyncpa.u1 $0x1  }
0xaf: {  	[sflag:s28] =	ssyncpa.u1 $0x1  }
0xb0: {  	_ =	sfence.stream.spmem  }
0xb1: {  	s29 =	simm.s32 $0x3;
	[bflag:$0x0] =	sbarrier.arrive $0xFFFF  }
0xb2: {  	s30 =	simm.s32 $0x4;
	[sflag:s29] =	ssyncpa.u1 $0x1  }
0xb3: {  	s31 =	simm.s32 $0x3C;
	s2 =	stileid.u32;
	[sflag:s30] =	ssyncpa.u1 $0x1  }
0xb4: {  	p0 =	sne.s32 s2, $0x0;
	[sflag:s31] =	ssyncpa.u1 $0x1  }
0xb5: {  	s0 =	simm.s32 @p0 $0x1;
	_ =	sfence @p0  }
0xb6: {  	[sflag:s0] =	ssyncpa.u1 @p0 $0x1;
	s0 =	simm.s32 @p0 $0x2  }
0xb7: {  	[sflag:s0] =	ssyncpa.u1 @p0 $0x1  }
0xb8: {  	_ =	strace @p0 $0x90000047  }
0xb9: {  	[bflag:$0x2] =	sbarrier.arrive @p0 $0xFFFF  }
0xba: {  	_ =	shalt @p0  }
.LBB2_14:
0xbb: {  	_ =	sfence.stream.spmem;
	s0 =	simm.s32 $0x5  }
0xbc: {  	s2 =	simm.s32 $0x80;
	s3 =	simm.s32 $0xC0;
	[sflag:s0] =	ssyncpa.u1 $0x0  }
0xbd: {  	[tilespmem:s3], [sflag:$0x5] =	stream.linear.gather [spmem:s2], $0x20, $0x38;
	[tilespmem:$0x12120] =	vst v63  }
0xbe: {  	s2 =	simm.s32 $0x0;
	s3 =	simm.s32 $0xE0  }
0xbf: {  	[tilespmem:s3], [sflag:$0x5] =	stream.linear.gather [spmem:s2], $0x20, $0x38;
	[tilespmem:$0x12120] =	vst v63  }
.Ltmp9:
0xc0: {  	_ = 	snop;
	(pc) =	sbr.rel .LBB2_15-.Ltmp9, $4  }
0xc1: {  	_ =	swait.ge [sflag:s0], $0x40  }
0xc2: {  	[sflag:s0] =	ssyncset.done $0x0  }
0xc3: {  	s31 =	simm.s32 $0x6;
	[sflag:s0] =	ssyncadd.s32 $0xFFFFFFC0  }
0xc4: {  	s4 =	simm.s32 $0x0;
	[sflag:s31] =	ssyncpa.u1 $0x0  }
.LBB2_20:
0xc5: {  	p0 =	sgt.u32 s0, $0xFFF  }
0xc6: {  	s5 =	sshrl.u32 @!p0 s0, $0x3  }
0xc7: {  	s0 =	sand.u32 @!p0 $0x7, s0;
	s6 =	simm.s32 @!p0 $0xB0;
	s5 =	sadd.s32 @!p0 s1, s5  }
0xc8: {  	[tilespmem:s6], [sflag:$0x6] =	stream.linear.gather @!p0 [hbm4b:s5+s0], $0x1, $0x38;
	[tilespmem:$0x12120] =	vst v63  }
0xc9: {  	s0 =	simm.s32 @!p0 $0x6  }
0xca: {  	_ =	swait.ge @!p0 [sflag:s0], $0x1  }
0xcb: {  	[sflag:s0] =	ssyncset.done @!p0 $0x0  }
0xcc: {  	[sflag:s0] =	ssyncadd.s32 @!p0 $0xFFFFFFFF  }
0xcd: {  	v2 =	vmov @!p0 s4;
	v1 =	vld.msk @!p0 [tilespmem:$0xB0], $0x1;
	_ =	sdelay $0x3  }
0xce: {  	s0 =	simm.s32 @!p0 $0xE0  }
0xcf: {  	[tilespmem:v2+s0+$0x0], v1 =	vst.idx.ret.add.f32.msk @!p0 $0x1, v1  }
0xd0: {  	[tilespmem:s2+$0xC0] =	vst.msk $0x1, v0  }
0xd1: {  	v0 =	vld.msk [tilespmem:s4+$0xE0], $0x1;
	_ =	sdelay $0x4  }
0xd2: {  	[tilespmem:s2+$0xE0] =	vst.msk $0x1, v0;
	s2 =	sadd.s32 $0x1, s2  }
.LBB2_22:
0xd3: {  	s4 =	sadd.s32 $0x1, s4  }
0xd4: {  	p0 =	sne.s32 s4, $0x20  }
.Ltmp10:
0xd5: {  	_ = 	snop;
	(pc) =	sbr.rel @!p0 .LBB2_23-.Ltmp10, $1  }
0xd6: {  	_ =	sdelay $0x3  }
.LBB2_15:
0xd7: {  	v0 =	vld.msk [tilespmem:s4+$0xC0], $0x1;
	_ =	sdelay $0x4  }
0xd8: {  	(v2sf) =	vpush v0, $0x0;
	_ =	sdelay $0xe  }
0xd9: {  	s0 =	spop (v2sf)  }
0xda: {  	p0 =	seq.s32 s0, $0xFFFFFFFF  }
.Ltmp11:
0xdb: {  	_ = 	snop;
	(pc) =	sbr.rel @p0 .LBB2_22-.Ltmp11, $1  }
0xdc: {  	_ =	sdelay $0x3  }
0xdd: {  	p0 =	slt.s32 s2, $0x1  }
.Ltmp12:
0xde: {  	_ = 	snop;
	(pc) =	sbr.rel @p0 .LBB2_20-.Ltmp12, $1  }
0xdf: {  	_ =	sdelay $0x3  }
0xe0: {  	s5 =	simm.s32 $0xC0;
	p0 =	por $0x0, $0x0  }
0xe1: {  	v1 =	vld.msk @!p0 [tilespmem:s5+$0x0], $0x1;
	_ =	sdelay $0x4  }
0xe2: {  	(v2sf) =	vpush @!p0 v1, $0x0;
	_ =	sdelay $0xd  }
0xe3: {  	p2 =	sne.s32 s2, $0x1  }
.Ltmp13:
0xe4: {  	s6 =	spop @!p0 (v2sf);
	(pc) =	sbr.rel @!p2 .LBB2_19-.Ltmp13, $4  }
0xe5: {  	p1 =	seq.s32 @!p0 s0, s6  }
0xe6: {  	s6 =	simm.s32 $0x0;
	p1 =	por !p1, p0  }
0xe7: {  	s8 =	simm.s32 $0xFFFFFFFF;
	s6 =	simm.s32 @p1 $0xFFFFFFFF  }
0xe8: {  	s7 =	simm.s32 $0x1;
	s6 =	smov.u32 @p0 s8  }
.LBB2_18:
0xe9: {  	s8 =	smov.u32 s6;
	p0 =	sne.s32 s6, $0xFFFFFFFF  }
0xea: {  	s5 =	sadd.s32 $0x1, s5;
	s6 =	smov.u32 s7;
	s7 =	sadd.s32 $0x1, s7  }
0xeb: {  	p1 =	sne.s32 s2, s7;
	v1 =	vld.msk @!p0 [tilespmem:s5+$0x0], $0x1;
	_ =	sdelay $0x4  }
0xec: {  	(v2sf) =	vpush @!p0 v1, $0x0;
	_ =	sdelay $0xe  }
.Ltmp14:
0xed: {  	s9 =	spop @!p0 (v2sf);
	(pc) =	sbr.rel @p1 .LBB2_18-.Ltmp14, $4  }
0xee: {  	p2 =	seq.s32 @!p0 s0, s9  }
0xef: {  	p2 =	por !p2, p0  }
0xf0: {  	s6 =	simm.s32 @p2 $0xFFFFFFFF  }
0xf1: {  	s6 =	smov.u32 @p0 s8  }
.LBB2_19:
0xf2: {  	p0 =	sne.s32 s6, $0xFFFFFFFF  }
.Ltmp15:
0xf3: {  	_ = 	snop;
	(pc) =	sbr.rel @!p0 .LBB2_20-.Ltmp15, $1  }
0xf4: {  	_ =	sdelay $0x3  }
0xf5: {  	v0 =	vld.msk [tilespmem:s4+$0xE0], $0x1;
	v1 =	vmov s6  }
.Ltmp16:
0xf6: {  	_ = 	snop;
	(pc) =	sbr.rel .LBB2_22-.Ltmp16, $2  }
0xf7: {  	_ =	sdelay $0x2  }
0xf8: {  	[tilespmem:v1+s3+$0x0], v0 =	vst.idx.ret.add.f32.msk $0x1, v0  }
.LBB2_23:
0xf9: {  	p0 =	slt.s32 s2, $0x1  }
.Ltmp17:
0xfa: {  	_ = 	snop;
	(pc) =	sbr.rel @p0 .LBB2_27-.Ltmp17, $3  }
0xfb: {  	_ =	sdelay $0x1  }
0xfc: {  	s0 =	simm.s32 $0x6  }
0xfd: {  	[sflag:s0] =	ssyncpa.u1 $0x1;
	s0 =	simm.s32 $0x0  }
0xfe: {  	s3 =	simm.s32 $0xC0  }
0xff: {  	v0 =	vld.msk [tilespmem:s3+$0x0], $0x1;
	_ =	sdelay $0x4  }
0x100: {  	(v2sf) =	vpush v0, $0x0;
	_ =	sdelay $0xe  }
0x101: {  	s2 =	sadd.s32 $0xFFFFFFFF, s2;
	s4 =	spop (v2sf)  }
0x102: {  	p1 =	sne.s32 s2, $0x0;
	p0 =	sgt.u32 s4, $0xFFF  }
.Ltmp18:
0x103: {  	s5 =	sshrl.u32 @!p0 s4, $0x3;
	(pc) =	sbr.rel @!p1 .LBB2_26-.Ltmp18, $4  }
0x104: {  	s3 =	simm.s32 $0xE0;
	s4 =	sand.u32 @!p0 $0x7, s4;
	s5 =	sadd.s32 @!p0 s1, s5  }
0x105: {  	[hbm4b:s5+s4] =	stream.linear.scatter @!p0 [tilespmem:s3], [sflag:$0x5], $0x1, $0x38;
	[tilespmem:$0x12120] =	vst v63  }
0x106: {  	s5 =	simm.s32 $0x0  }
0x107: {  	s4 =	simm.s32 $0xC1;
	s5 =	simm.s32 @!p0 $0x4  }
.LBB2_25:
0x108: {  	v0 =	vld.msk [tilespmem:s4+$0x0], $0x1;
	s2 =	sadd.s32 $0xFFFFFFFF, s2;
	s0 =	sadd.s32 s0, s5  }
0x109: {  	p0 =	sne.s32 s2, $0x0;
	_ =	sdelay $0x3  }
0x10a: {  	(v2sf) =	vpush v0, $0x0;
	_ =	sdelay $0xe  }
.Ltmp19:
0x10b: {  	s6 =	spop (v2sf);
	(pc) =	sbr.rel @p0 .LBB2_25-.Ltmp19, $4  }
0x10c: {  	s5 =	simm.s32 $0x0;
	p1 =	sgt.u32 s6, $0xFFF  }
0x10d: {  	s3 =	sadd.s32 $0x1, s3;
	s5 =	simm.s32 @!p1 $0x4;
	s7 =	sshrl.u32 @!p1 s6, $0x3  }
0x10e: {  	s4 =	sadd.s32 $0x1, s4;
	s6 =	sand.u32 @!p1 $0x7, s6;
	s7 =	sadd.s32 @!p1 s1, s7  }
0x10f: {  	[hbm4b:s7+s6] =	stream.linear.scatter @!p1 [tilespmem:s3], [sflag:$0x5], $0x1, $0x38;
	[tilespmem:$0x12120] =	vst v63  }
.LBB2_26:
0x110: {  	s0 =	sadd.s32 s0, s5  }
0x111: {  	s0 =	sshrl.u32 s0, $0x2  }
.LBB2_27:
0x112: {  	s1 =	simm.s32 $0x5  }
0x113: {  	_ =	swait.ge [sflag:s1], s0  }
0x114: {  	s28 =	ssub.s32 $0x0, s0;
	[sflag:s1] =	ssyncset.done $0x0  }
0x115: {  	[sflag:s1] =	ssyncadd.s32 s28  }
0x116: {  	[sflag:s1] =	ssyncpa.u1 $0x1  }
0x117: {  	s29 =	simm.s32 $0x1;
	_ =	sfence  }
0x118: {  	s30 =	simm.s32 $0x2;
	[sflag:s29] =	ssyncpa.u1 $0x1  }
0x119: {  	[sflag:s30] =	ssyncpa.u1 $0x1  }
0x11a: {  	_ =	strace $0x90000047  }
0x11b: {  	[bflag:$0x2] =	sbarrier.arrive $0xFFFF  }
0x11c: {  	s31 =	rddreg [dreg:$0x1]  }
0x11d: {  	s0 =	sadd.s32 $0x100000, s31  }
0x11e: {  	[sflag:s0] =	ssyncadd.tile.s32 $0x1;
	_ =	shalt  }
.Lfunc_end2:
_tile_overlayer_lowered:
.L_overlay_start_2:
0x11f: {  	(tag) =	ssettag $0x2  }
0x120: {  	s0 =	rddreg [dreg:$0x0];
	s2 =	stileid.u32  }
0x121: {  	s1 =	rddreg [dreg:$0x1];
	p0 =	sne.s32 s2, $0x0  }
0x122: {  	s3 =	rddreg [dreg:$0x2];
	[bflag:$0x3] =	sbarrier.arrive $0xFFFF;
	s2 =	simm.s32 @!p0 $0x1C01  }
0x123: {  	[timem:s3], [sflag:s2] =	dma.local @!p0 [hbm:s0], s1  }
0x124: {  	s0 =	simm.s32 @!p0 $0x1  }
0x125: {  	_ =	swait.ge @!p0 [sflag:s0], s1  }
0x126: {  	s1 =	ssub.s32 @!p0 $0x0, s1;
	[sflag:s0] =	ssyncset.done @!p0 $0x0  }
0x127: {  	[sflag:s0] =	ssyncadd.s32 @!p0 s1  }
0x128: {  	[bflag:$0x3] =	sbarrier.arrive $0xFFFF  }
0x129: {  	_ =	shalt  }

</sc_bundles>
